<compile_context>
chip_gen: v7x
topology: tpu7x:2x2x1
jax: 0.10.2.dev20260603
libtpu: 0.0.44.dev20260713+nightly
codegen_flags: <defaults>
</compile_context>

<pallas_src>
import functools

import jax
import jax.numpy as jnp
from jax import lax
from jax.experimental import pallas as pl
from jax.experimental.pallas import tpu as pltpu
from jax.experimental.pallas import tpu_sc as plsc

S = 2048
H = 1024
I = 768
E = 64
T = 64
NT = 96
PAD = NT * T

NW = 32
RW = S // NW


def _router_body(x_ref, gw_ref, logits_ref, pos_ref, te_ref, nt_ref):
    x = x_ref[...]
    gw = gw_ref[...]
    logits = lax.dot_general(
        x, gw, (((1,), (1,)), ((), ())),
        preferred_element_type=jnp.float32,
        precision=lax.Precision.DEFAULT,
    )
    logits_ref[...] = logits

    m = jnp.max(logits, axis=1, keepdims=True)
    eiota = lax.broadcasted_iota(jnp.int32, (S, E), 1)
    sel = jnp.min(jnp.where(logits == m, eiota, E), axis=1)

    onehot = (eiota == sel[:, None]).astype(jnp.int32)

    c = onehot
    k = 1
    while k < S:
        c = c + jnp.concatenate(
            [jnp.zeros((k, E), jnp.int32), c[: S - k, :]], axis=0)
        k *= 2

    rank = jnp.sum(onehot * c, axis=1) - 1
    counts = c[S - 1 : S, :]
    padded = ((counts + (T - 1)) // T) * T

    pc = padded
    k = 1
    while k < E:
        pc = pc + jnp.concatenate(
            [jnp.zeros((1, k), jnp.int32), pc[:, : E - k]], axis=1)
        k *= 2
    off_excl = pc - padded
    tile_end = pc // T

    tiota = lax.broadcasted_iota(jnp.int32, (NT, E), 0)
    te = jnp.sum((tile_end <= tiota).astype(jnp.int32), axis=1)
    laneiota = lax.broadcasted_iota(jnp.int32, (1, E), 1)
    max_e = jnp.max(jnp.where(counts > 0, laneiota, 0))
    te_ref[...] = jnp.minimum(te, max_e)[None, :]
    total_tiles = pc[0, E - 1] // T
    nt_ref[...] = jnp.full((1, NT), total_tiles, jnp.int32)

    pos = jnp.sum(onehot * off_excl, axis=1) + rank
    pos_ref[...] = pos[None, :]


def _router(x, gate_w):
    return pl.pallas_call(
        _router_body,
        out_shape=(
            jax.ShapeDtypeStruct((S, E), jnp.float32),
            jax.ShapeDtypeStruct((1, S), jnp.int32),
            jax.ShapeDtypeStruct((1, NT), jnp.int32),
            jax.ShapeDtypeStruct((1, NT), jnp.int32),
        ),
    )(x, gate_w)


def _mlp_body(te_ref, x_ref, wg_ref, wu_ref, wd_ref, out_ref):
    x = x_ref[...]
    g = lax.dot_general(x, wg_ref[0], (((1,), (1,)), ((), ())),
                        preferred_element_type=jnp.float32)
    u = lax.dot_general(x, wu_ref[0], (((1,), (1,)), ((), ())),
                        preferred_element_type=jnp.float32)
    act = g * jax.nn.sigmoid(g) * u
    out_ref[...] = lax.dot_general(act, wd_ref[0], (((1,), (1,)), ((), ())),
                                   preferred_element_type=jnp.float32)


def _moe_mlp(tile_expert, num_tiles, x_pad, w_gate, w_up, w_down):
    grid_spec = pltpu.PrefetchScalarGridSpec(
        num_scalar_prefetch=1,
        grid=(num_tiles,),
        in_specs=[
            pl.BlockSpec((T, H), lambda i, te: (i, 0)),
            pl.BlockSpec((1, I, H), lambda i, te: (te[i], 0, 0)),
            pl.BlockSpec((1, I, H), lambda i, te: (te[i], 0, 0)),
            pl.BlockSpec((1, H, I), lambda i, te: (te[i], 0, 0)),
        ],
        out_specs=pl.BlockSpec((T, H), lambda i, te: (i, 0)),
    )
    return pl.pallas_call(
        _mlp_body,
        grid_spec=grid_spec,
        out_shape=jax.ShapeDtypeStruct((PAD, H), jnp.float32),
    )(tile_expert, x_pad, w_gate, w_up, w_down)


def _sc_wid():
    return lax.axis_index("s") * 2 + lax.axis_index("c")


@functools.cache
def _sc_kernels():
    mesh = plsc.VectorSubcoreMesh(
        core_axis_name="c", subcore_axis_name="s", num_cores=2, num_subcores=16)
    scratch = [
        pltpu.VMEM((RW,), jnp.int32),
        pltpu.VMEM((RW, H), jnp.float32),
        pltpu.SemaphoreType.DMA,
    ]

    @functools.partial(
        pl.kernel,
        out_type=jax.ShapeDtypeStruct((PAD, H), jnp.float32),
        mesh=mesh,
        scratch_types=scratch,
    )
    def sc_scatter(x_hbm, pos_hbm, out_hbm, idx_v, rows_v, sem):
        wid = _sc_wid()
        pltpu.sync_copy(pos_hbm.at[wid], idx_v)
        pltpu.sync_copy(x_hbm.at[pl.ds(wid * RW, RW)], rows_v)
        pltpu.async_copy(rows_v, out_hbm.at[idx_v], sem).wait()

    @functools.partial(
        pl.kernel,
        out_type=jax.ShapeDtypeStruct((S, H), jnp.float32),
        mesh=mesh,
        scratch_types=scratch,
    )
    def sc_gather(rows_hbm, pos_hbm, out_hbm, idx_v, rows_v, sem):
        wid = _sc_wid()
        pltpu.sync_copy(pos_hbm.at[wid], idx_v)
        pltpu.async_copy(rows_hbm.at[idx_v], rows_v, sem).wait()
        pltpu.sync_copy(rows_v, out_hbm.at[pl.ds(wid * RW, RW)])

    return sc_scatter, sc_gather


def kernel(hidden_states, gate_w, w_gate, w_up, w_down):
    b, s, h = hidden_states.shape
    x = hidden_states.reshape(s * b, h)
    sc_scatter, sc_gather = _sc_kernels()
    logits, pos, tile_expert, ntiles = _router(x, gate_w)
    pos2d = pos.reshape(NW, RW)
    x_pad = sc_scatter(x, pos2d)
    out_pad = _moe_mlp(tile_expert.reshape(NT), ntiles.reshape(NT)[0], x_pad,
                       w_gate, w_up, w_down)
    final = sc_gather(out_pad, pos2d)
    return final.reshape(b, s, h), logits

# --- scband reference (transcript-rebuilt; emitter-appended) ---
"""Pipeline reference for scband-qwen3-moe-sparse-moe-block-62311385530820 (READ-ONLY COPY).

The authoritative reference and input builder live on the scoring server;
editing this copy changes nothing except your own understanding.
"""

import jax, jax.numpy as jnp
import numpy as np

HIDDEN = 1024
INTER = 768
E = 64
TOPK = 1
B = 1
S = 2048
NORM_TOPK = True


def setup_inputs(seed: int = 0) -> dict:
    key = jax.random.key(seed)
    ks = jax.random.split(key, 5)
    hidden_states = jax.random.normal(ks[0], (B, S, HIDDEN), dtype=jnp.float32)
    gate_w = jax.random.normal(ks[1], (E, HIDDEN), dtype=jnp.float32) * 0.02
    w_gate = jax.random.normal(ks[2], (E, INTER, HIDDEN), dtype=jnp.float32) * 0.02
    w_up = jax.random.normal(ks[3], (E, INTER, HIDDEN), dtype=jnp.float32) * 0.02
    w_down = jax.random.normal(ks[4], (E, HIDDEN, INTER), dtype=jnp.float32) * 0.02
    return {"hidden_states": hidden_states, "gate_w": gate_w, "w_gate": w_gate, "w_up": w_up, "w_down": w_down}


def reference(hidden_states, gate_w, w_gate, w_up, w_down):
    b, s, h = hidden_states.shape
    x = hidden_states.reshape(-1, h)
    router_logits = x @ gate_w.T
    probs = jax.nn.softmax(router_logits.astype(jnp.float32), axis=1)
    routing_weights, selected = jax.lax.top_k(probs, TOPK)
    if NORM_TOPK:
        routing_weights = routing_weights / jnp.sum(routing_weights, axis=-1, keepdims=True)
    routing_weights = routing_weights.astype(x.dtype)
    final = jnp.zeros((b * s, h), dtype=x.dtype)
    # expert_mask[e, k, t] = 1 if token t's k-th choice is expert e
    expert_mask = jax.nn.one_hot(selected, E, dtype=jnp.int32).transpose(2, 1, 0)
    num_experts = w_gate.shape[0]
    for e in range(num_experts):
        g = jax.nn.silu(x @ w_gate[e].T)
        u = x @ w_up[e].T
        out = (g * u) @ w_down[e].T
        w = jnp.sum(expert_mask[e].astype(x.dtype) * routing_weights.T, axis=0)
        final = final + out * w[:, None]
    final = final.reshape(b, s, h)
    return final, router_logits

if __name__ == "__main__":
    import jax
    _d = setup_inputs()
    print(jax.jit(kernel)(*tuple(_d.values())))

</pallas_src>

<mosaic_0001>
#map = affine_map<(d0, d1) -> (0, 0)>
module attributes {stable_mosaic.version = 14 : i64} {
  func.func @sc_scatter(%arg0: i32, %arg1: i32, %arg2: memref<2048x1024xf32, #tpu.memory_space<hbm>>, %arg3: memref<32x64xi32, #tpu.memory_space<hbm>>, %arg4: memref<6144x1024xf32, #tpu.memory_space<hbm>>, %arg5: memref<64xi32, #tpu.memory_space<vmem>>, %arg6: memref<64x1024xf32, #tpu.memory_space<vmem>>, %arg7: memref<!tpu.dma_semaphore, #tpu.memory_space<semaphore_mem>>) attributes {dimension_semantics = [#tpu.dimension_semantics<core_parallel>, #tpu.dimension_semantics<subcore_parallel>], iteration_bounds = array<i64: 2, 16>, scalar_prefetch = 0 : i64, scratch_operands = 3 : i64, tpu.core_type = #tpu.core_type<sc_vector_subcore>, window_params = [{transform_indices = #map}, {transform_indices = #map}, {transform_indices = #map}]} {
    %mul3A = arith.constant 2 : i32
    %mul3A_0 = arith.muli %arg1, %mul3A : i32
    %add3A = arith.addi %mul3A_0, %arg0 : i32
    "tpu.region"() ({
      %run_scoped3A = tpu.sem_alloc : memref<!tpu.dma_semaphore, #tpu.memory_space<semaphore_mem>>
      %dma_start3A_7 = arith.constant 0 : i32
      %dma_start3A_8 = tpu.memref_slice %arg3[%add3A, %dma_start3A_7] : memref<32x64xi32, #tpu.memory_space<hbm>> -> memref<1x64xi32, #tpu.memory_space<hbm>>
      %dma_start3A_9 = tpu.memref_squeeze %dma_start3A_8 : memref<1x64xi32, #tpu.memory_space<hbm>> -> memref<64xi32, #tpu.memory_space<hbm>>
      %dma_start3A_10 = arith.constant 0 : i32
      %dma_start3A_11 = tpu.memref_slice %arg3[%add3A, %dma_start3A_10] : memref<32x64xi32, #tpu.memory_space<hbm>> -> memref<1x64xi32, #tpu.memory_space<hbm>>
      %dma_start3A_12 = tpu.memref_squeeze %dma_start3A_11 : memref<1x64xi32, #tpu.memory_space<hbm>> -> memref<64xi32, #tpu.memory_space<hbm>>
      tpu.enqueue_dma source(%dma_start3A_12 : memref<64xi32, #tpu.memory_space<hbm>>) target(%arg5 : memref<64xi32, #tpu.memory_space<vmem>>) target_semaphore(%run_scoped3A : memref<!tpu.dma_semaphore, #tpu.memory_space<semaphore_mem>>)
      %dma_wait3A_13 = arith.constant 0 : i32
      %dma_wait3A_14 = tpu.memref_slice %arg3[%add3A, %dma_wait3A_13] : memref<32x64xi32, #tpu.memory_space<hbm>> -> memref<1x64xi32, #tpu.memory_space<hbm>>
      %dma_wait3A_15 = tpu.memref_squeeze %dma_wait3A_14 : memref<1x64xi32, #tpu.memory_space<hbm>> -> memref<64xi32, #tpu.memory_space<hbm>>
      %dma_wait3A_16 = arith.constant 0 : i32
      %dma_wait3A_17 = tpu.memref_slice %arg3[%add3A, %dma_wait3A_16] : memref<32x64xi32, #tpu.memory_space<hbm>> -> memref<1x64xi32, #tpu.memory_space<hbm>>
      %dma_wait3A_18 = tpu.memref_squeeze %dma_wait3A_17 : memref<1x64xi32, #tpu.memory_space<hbm>> -> memref<64xi32, #tpu.memory_space<hbm>>
      tpu.wait_dma2 semaphore(%run_scoped3A : memref<!tpu.dma_semaphore, #tpu.memory_space<semaphore_mem>>) src(%dma_wait3A_18 : memref<64xi32, #tpu.memory_space<hbm>>) dst(%arg5 : memref<64xi32, #tpu.memory_space<vmem>>)
      tpu.yield
    }) : () -> ()
    %mul3A_1 = arith.constant 64 : i32
    %mul3A_2 = arith.muli %add3A, %mul3A_1 : i32
    "tpu.region"() ({
      %run_scoped3A = tpu.sem_alloc : memref<!tpu.dma_semaphore, #tpu.memory_space<semaphore_mem>>
      %dma_start3A_7 = arith.constant 0 : i32
      %dma_start3A_8 = tpu.memref_slice %arg2[%mul3A_2, %dma_start3A_7] : memref<2048x1024xf32, #tpu.memory_space<hbm>> -> memref<64x1024xf32, #tpu.memory_space<hbm>>
      %dma_start3A_9 = arith.constant 0 : i32
      %dma_start3A_10 = tpu.memref_slice %arg2[%mul3A_2, %dma_start3A_9] : memref<2048x1024xf32, #tpu.memory_space<hbm>> -> memref<64x1024xf32, #tpu.memory_space<hbm>>
      tpu.enqueue_dma source(%dma_start3A_10 : memref<64x1024xf32, #tpu.memory_space<hbm>>) target(%arg6 : memref<64x1024xf32, #tpu.memory_space<vmem>>) target_semaphore(%run_scoped3A : memref<!tpu.dma_semaphore, #tpu.memory_space<semaphore_mem>>)
      %dma_wait3A_11 = arith.constant 0 : i32
      %dma_wait3A_12 = tpu.memref_slice %arg2[%mul3A_2, %dma_wait3A_11] : memref<2048x1024xf32, #tpu.memory_space<hbm>> -> memref<64x1024xf32, #tpu.memory_space<hbm>>
      %dma_wait3A_13 = arith.constant 0 : i32
      %dma_wait3A_14 = tpu.memref_slice %arg2[%mul3A_2, %dma_wait3A_13] : memref<2048x1024xf32, #tpu.memory_space<hbm>> -> memref<64x1024xf32, #tpu.memory_space<hbm>>
      tpu.wait_dma2 semaphore(%run_scoped3A : memref<!tpu.dma_semaphore, #tpu.memory_space<semaphore_mem>>) src(%dma_wait3A_14 : memref<64x1024xf32, #tpu.memory_space<hbm>>) dst(%arg6 : memref<64x1024xf32, #tpu.memory_space<vmem>>)
      tpu.yield
    }) : () -> ()
    %dma_start3A = arith.constant 0 : i32
    %dma_start3A_3 = arith.constant 0 : i32
    %dma_start3A_4 = tpu.memref_slice %arg4[%dma_start3A, %dma_start3A_3] : memref<6144x1024xf32, #tpu.memory_space<hbm>> -> memref<6144x1024xf32, #tpu.memory_space<hbm>>
    tpu.enqueue_indirect_dma source(%arg6 : memref<64x1024xf32, #tpu.memory_space<vmem>>) target(%dma_start3A_4 : memref<6144x1024xf32, #tpu.memory_space<hbm>>) offsets(%arg5 : memref<64xi32, #tpu.memory_space<vmem>>) semaphore(%arg7 : memref<!tpu.dma_semaphore, #tpu.memory_space<semaphore_mem>>)
    %dma_wait3A = arith.constant 0 : i32
    %dma_wait3A_5 = arith.constant 0 : i32
    %dma_wait3A_6 = tpu.memref_slice %arg4[%dma_wait3A, %dma_wait3A_5] : memref<6144x1024xf32, #tpu.memory_space<hbm>> -> memref<6144x1024xf32, #tpu.memory_space<hbm>>
    tpu.wait_indirect_dma semaphore(%arg7 : memref<!tpu.dma_semaphore, #tpu.memory_space<semaphore_mem>>) src(%arg6 : memref<64x1024xf32, #tpu.memory_space<vmem>>) dst(%dma_wait3A_6 : memref<6144x1024xf32, #tpu.memory_space<hbm>>)
    return
  }
}

#map = affine_map<(d0, d1) -> (0, 0)>
module attributes {stable_mosaic.version = 14 : i64} {
  func.func @sc_gather(%arg0: i32, %arg1: i32, %arg2: memref<6144x1024xf32, #tpu.memory_space<hbm>>, %arg3: memref<32x64xi32, #tpu.memory_space<hbm>>, %arg4: memref<2048x1024xf32, #tpu.memory_space<hbm>>, %arg5: memref<64xi32, #tpu.memory_space<vmem>>, %arg6: memref<64x1024xf32, #tpu.memory_space<vmem>>, %arg7: memref<!tpu.dma_semaphore, #tpu.memory_space<semaphore_mem>>) attributes {dimension_semantics = [#tpu.dimension_semantics<core_parallel>, #tpu.dimension_semantics<subcore_parallel>], iteration_bounds = array<i64: 2, 16>, scalar_prefetch = 0 : i64, scratch_operands = 3 : i64, tpu.core_type = #tpu.core_type<sc_vector_subcore>, window_params = [{transform_indices = #map}, {transform_indices = #map}, {transform_indices = #map}]} {
    %mul3A = arith.constant 2 : i32
    %mul3A_0 = arith.muli %arg1, %mul3A : i32
    %add3A = arith.addi %mul3A_0, %arg0 : i32
    "tpu.region"() ({
      %run_scoped3A = tpu.sem_alloc : memref<!tpu.dma_semaphore, #tpu.memory_space<semaphore_mem>>
      %dma_start3A_7 = arith.constant 0 : i32
      %dma_start3A_8 = tpu.memref_slice %arg3[%add3A, %dma_start3A_7] : memref<32x64xi32, #tpu.memory_space<hbm>> -> memref<1x64xi32, #tpu.memory_space<hbm>>
      %dma_start3A_9 = tpu.memref_squeeze %dma_start3A_8 : memref<1x64xi32, #tpu.memory_space<hbm>> -> memref<64xi32, #tpu.memory_space<hbm>>
      %dma_start3A_10 = arith.constant 0 : i32
      %dma_start3A_11 = tpu.memref_slice %arg3[%add3A, %dma_start3A_10] : memref<32x64xi32, #tpu.memory_space<hbm>> -> memref<1x64xi32, #tpu.memory_space<hbm>>
      %dma_start3A_12 = tpu.memref_squeeze %dma_start3A_11 : memref<1x64xi32, #tpu.memory_space<hbm>> -> memref<64xi32, #tpu.memory_space<hbm>>
      tpu.enqueue_dma source(%dma_start3A_12 : memref<64xi32, #tpu.memory_space<hbm>>) target(%arg5 : memref<64xi32, #tpu.memory_space<vmem>>) target_semaphore(%run_scoped3A : memref<!tpu.dma_semaphore, #tpu.memory_space<semaphore_mem>>)
      %dma_wait3A_13 = arith.constant 0 : i32
      %dma_wait3A_14 = tpu.memref_slice %arg3[%add3A, %dma_wait3A_13] : memref<32x64xi32, #tpu.memory_space<hbm>> -> memref<1x64xi32, #tpu.memory_space<hbm>>
      %dma_wait3A_15 = tpu.memref_squeeze %dma_wait3A_14 : memref<1x64xi32, #tpu.memory_space<hbm>> -> memref<64xi32, #tpu.memory_space<hbm>>
      %dma_wait3A_16 = arith.constant 0 : i32
      %dma_wait3A_17 = tpu.memref_slice %arg3[%add3A, %dma_wait3A_16] : memref<32x64xi32, #tpu.memory_space<hbm>> -> memref<1x64xi32, #tpu.memory_space<hbm>>
      %dma_wait3A_18 = tpu.memref_squeeze %dma_wait3A_17 : memref<1x64xi32, #tpu.memory_space<hbm>> -> memref<64xi32, #tpu.memory_space<hbm>>
      tpu.wait_dma2 semaphore(%run_scoped3A : memref<!tpu.dma_semaphore, #tpu.memory_space<semaphore_mem>>) src(%dma_wait3A_18 : memref<64xi32, #tpu.memory_space<hbm>>) dst(%arg5 : memref<64xi32, #tpu.memory_space<vmem>>)
      tpu.yield
    }) : () -> ()
    %dma_start3A = arith.constant 0 : i32
    %dma_start3A_1 = arith.constant 0 : i32
    %dma_start3A_2 = tpu.memref_slice %arg2[%dma_start3A, %dma_start3A_1] : memref<6144x1024xf32, #tpu.memory_space<hbm>> -> memref<6144x1024xf32, #tpu.memory_space<hbm>>
    tpu.enqueue_indirect_dma source(%dma_start3A_2 : memref<6144x1024xf32, #tpu.memory_space<hbm>>) target(%arg6 : memref<64x1024xf32, #tpu.memory_space<vmem>>) offsets(%arg5 : memref<64xi32, #tpu.memory_space<vmem>>) semaphore(%arg7 : memref<!tpu.dma_semaphore, #tpu.memory_space<semaphore_mem>>)
    %dma_wait3A = arith.constant 0 : i32
    %dma_wait3A_3 = arith.constant 0 : i32
    %dma_wait3A_4 = tpu.memref_slice %arg2[%dma_wait3A, %dma_wait3A_3] : memref<6144x1024xf32, #tpu.memory_space<hbm>> -> memref<6144x1024xf32, #tpu.memory_space<hbm>>
    tpu.wait_indirect_dma semaphore(%arg7 : memref<!tpu.dma_semaphore, #tpu.memory_space<semaphore_mem>>) src(%dma_wait3A_4 : memref<6144x1024xf32, #tpu.memory_space<hbm>>) dst(%arg6 : memref<64x1024xf32, #tpu.memory_space<vmem>>)
    %mul3A_5 = arith.constant 64 : i32
    %mul3A_6 = arith.muli %add3A, %mul3A_5 : i32
    "tpu.region"() ({
      %run_scoped3A = tpu.sem_alloc : memref<!tpu.dma_semaphore, #tpu.memory_space<semaphore_mem>>
      %dma_start3A_7 = arith.constant 0 : i32
      %dma_start3A_8 = tpu.memref_slice %arg4[%mul3A_6, %dma_start3A_7] : memref<2048x1024xf32, #tpu.memory_space<hbm>> -> memref<64x1024xf32, #tpu.memory_space<hbm>>
      %dma_start3A_9 = arith.constant 0 : i32
      %dma_start3A_10 = tpu.memref_slice %arg4[%mul3A_6, %dma_start3A_9] : memref<2048x1024xf32, #tpu.memory_space<hbm>> -> memref<64x1024xf32, #tpu.memory_space<hbm>>
      tpu.enqueue_dma source(%arg6 : memref<64x1024xf32, #tpu.memory_space<vmem>>) target(%dma_start3A_10 : memref<64x1024xf32, #tpu.memory_space<hbm>>) target_semaphore(%run_scoped3A : memref<!tpu.dma_semaphore, #tpu.memory_space<semaphore_mem>>)
      %dma_wait3A_11 = arith.constant 0 : i32
      %dma_wait3A_12 = tpu.memref_slice %arg4[%mul3A_6, %dma_wait3A_11] : memref<2048x1024xf32, #tpu.memory_space<hbm>> -> memref<64x1024xf32, #tpu.memory_space<hbm>>
      %dma_wait3A_13 = arith.constant 0 : i32
      %dma_wait3A_14 = tpu.memref_slice %arg4[%mul3A_6, %dma_wait3A_13] : memref<2048x1024xf32, #tpu.memory_space<hbm>> -> memref<64x1024xf32, #tpu.memory_space<hbm>>
      tpu.wait_dma2 semaphore(%run_scoped3A : memref<!tpu.dma_semaphore, #tpu.memory_space<semaphore_mem>>) src(%arg6 : memref<64x1024xf32, #tpu.memory_space<vmem>>) dst(%dma_wait3A_14 : memref<64x1024xf32, #tpu.memory_space<hbm>>)
      tpu.yield
    }) : () -> ()
    return
  }
}

module attributes {stable_mosaic.version = 14 : i64} {
  func.func @_mlp_body(%arg0: i32, %arg1: memref<96xi32, #tpu.memory_space<smem>>, %arg2: memref<64x1024xf32, #tpu.memory_space<vmem>>, %arg3: memref<1x768x1024xf32, #tpu.memory_space<vmem>>, %arg4: memref<1x768x1024xf32, #tpu.memory_space<vmem>>, %arg5: memref<1x1024x768xf32, #tpu.memory_space<vmem>>, %arg6: memref<64x1024xf32, #tpu.memory_space<vmem>>) attributes {dimension_semantics = [#tpu.dimension_semantics<arbitrary>], iteration_bounds = array<i64: -9223372036854775808>, scalar_prefetch = 1 : i64, scratch_operands = 0 : i64, tpu.core_type = #tpu.core_type<tc>, window_params = [{transform_indices = @transform_0, window_bounds = array<i64: 64, 1024>}, {transform_indices = @transform_1, window_bounds = array<i64: 1, 768, 1024>}, {transform_indices = @transform_2, window_bounds = array<i64: 1, 768, 1024>}, {transform_indices = @transform_3, window_bounds = array<i64: 1, 1024, 768>}, {transform_indices = @transform_4, window_bounds = array<i64: 64, 1024>}]} {
    %get3A = arith.constant 0 : index
    %get3A_0 = arith.constant 0 : index
    %get3A_1 = vector.load %arg2[%get3A, %get3A_0] : memref<64x1024xf32, #tpu.memory_space<vmem>>, vector<64x1024xf32>
    %get3A_2 = arith.constant 0 : index
    %get3A_3 = arith.constant 0 : index
    %get3A_4 = arith.constant 0 : index
    %get3A_5 = vector.load %arg3[%get3A_2, %get3A_3, %get3A_4] : memref<1x768x1024xf32, #tpu.memory_space<vmem>>, vector<1x768x1024xf32>
    %get3A_6 = vector.shape_cast %get3A_5 : vector<1x768x1024xf32> to vector<768x1024xf32>
    %dot_general3A = arith.constant dense<0.000000e+00> : vector<64x768xf32>
    %dot_general3A_7 = tpu.matmul %get3A_1, %get3A_6, %dot_general3A {dimension_numbers = #tpu.dot_dimension_numbers<[1], [1], [0], [0], [0, 0, 1, 0], [], []>, transpose_lhs_hint = false} : vector<64x1024xf32>, vector<768x1024xf32>, vector<64x768xf32> -> vector<64x768xf32>
    %get3A_8 = arith.constant 0 : index
    %get3A_9 = arith.constant 0 : index
    %get3A_10 = arith.constant 0 : index
    %get3A_11 = vector.load %arg4[%get3A_8, %get3A_9, %get3A_10] : memref<1x768x1024xf32, #tpu.memory_space<vmem>>, vector<1x768x1024xf32>
    %get3A_12 = vector.shape_cast %get3A_11 : vector<1x768x1024xf32> to vector<768x1024xf32>
    %dot_general3A_13 = arith.constant dense<0.000000e+00> : vector<64x768xf32>
    %dot_general3A_14 = tpu.matmul %get3A_1, %get3A_12, %dot_general3A_13 {dimension_numbers = #tpu.dot_dimension_numbers<[1], [1], [0], [0], [0, 0, 1, 0], [], []>, transpose_lhs_hint = false} : vector<64x1024xf32>, vector<768x1024xf32>, vector<64x768xf32> -> vector<64x768xf32>
    %logistic3A = arith.negf %dot_general3A_7 : vector<64x768xf32>
    %logistic3A_15 = math.exp %logistic3A : vector<64x768xf32>
    %logistic3A_16 = arith.constant 1.000000e+00 : f32
    %logistic3A_17 = vector.broadcast %logistic3A_16 : f32 to vector<64x768xf32>
    %logistic3A_18 = arith.addf %logistic3A_17, %logistic3A_15 : vector<64x768xf32>
    %logistic3A_19 = arith.divf %logistic3A_17, %logistic3A_18 : vector<64x768xf32>
    %mul3A = arith.mulf %dot_general3A_7, %logistic3A_19 : vector<64x768xf32>
    %mul3A_20 = arith.mulf %mul3A, %dot_general3A_14 : vector<64x768xf32>
    %get3A_21 = arith.constant 0 : index
    %get3A_22 = arith.constant 0 : index
    %get3A_23 = arith.constant 0 : index
    %get3A_24 = vector.load %arg5[%get3A_21, %get3A_22, %get3A_23] : memref<1x1024x768xf32, #tpu.memory_space<vmem>>, vector<1x1024x768xf32>
    %get3A_25 = vector.shape_cast %get3A_24 : vector<1x1024x768xf32> to vector<1024x768xf32>
    %dot_general3A_26 = arith.constant dense<0.000000e+00> : vector<64x1024xf32>
    %dot_general3A_27 = tpu.matmul %mul3A_20, %get3A_25, %dot_general3A_26 {dimension_numbers = #tpu.dot_dimension_numbers<[1], [1], [0], [0], [0, 0, 1, 0], [], []>, transpose_lhs_hint = false} : vector<64x768xf32>, vector<1024x768xf32>, vector<64x1024xf32> -> vector<64x1024xf32>
    %swap3A = arith.constant 0 : index
    %swap3A_28 = arith.constant 0 : index
    %swap3A_29 = vector.load %arg6[%swap3A, %swap3A_28] : memref<64x1024xf32, #tpu.memory_space<vmem>>, vector<64x1024xf32>
    tpu.vector_store %arg6[%swap3A, %swap3A_28], %dot_general3A_27 {strides = array<i32>} : memref<64x1024xf32, #tpu.memory_space<vmem>>, vector<64x1024xf32>,
    return
  }
  func.func @transform_0(%arg0: i32, %arg1: memref<96xi32, #tpu.memory_space<smem>>) -> (i32, i32) {
    %c0_i32 = arith.constant 0 : i32
    %c0_i32_0 = arith.constant 0 : i32
    return %arg0, %c0_i32 : i32, i32
  }
  func.func @transform_1(%arg0: i32, %arg1: memref<96xi32, #tpu.memory_space<smem>>) -> (i32, i32, i32) {
    %get3A = arith.index_cast %arg0 : i32 to index
    %get3A_0 = memref.load %arg1[%get3A] : memref<96xi32, #tpu.memory_space<smem>>
    %c0_i32 = arith.constant 0 : i32
    %c0_i32_1 = arith.constant 0 : i32
    %c0_i32_2 = arith.constant 0 : i32
    return %get3A_0, %c0_i32, %c0_i32_1 : i32, i32, i32
  }
  func.func @transform_2(%arg0: i32, %arg1: memref<96xi32, #tpu.memory_space<smem>>) -> (i32, i32, i32) {
    %get3A = arith.index_cast %arg0 : i32 to index
    %get3A_0 = memref.load %arg1[%get3A] : memref<96xi32, #tpu.memory_space<smem>>
    %c0_i32 = arith.constant 0 : i32
    %c0_i32_1 = arith.constant 0 : i32
    %c0_i32_2 = arith.constant 0 : i32
    return %get3A_0, %c0_i32, %c0_i32_1 : i32, i32, i32
  }
  func.func @transform_3(%arg0: i32, %arg1: memref<96xi32, #tpu.memory_space<smem>>) -> (i32, i32, i32) {
    %get3A = arith.index_cast %arg0 : i32 to index
    %get3A_0 = memref.load %arg1[%get3A] : memref<96xi32, #tpu.memory_space<smem>>
    %c0_i32 = arith.constant 0 : i32
    %c0_i32_1 = arith.constant 0 : i32
    %c0_i32_2 = arith.constant 0 : i32
    return %get3A_0, %c0_i32, %c0_i32_1 : i32, i32, i32
  }
  func.func @transform_4(%arg0: i32, %arg1: memref<96xi32, #tpu.memory_space<smem>>) -> (i32, i32) {
    %c0_i32 = arith.constant 0 : i32
    %c0_i32_0 = arith.constant 0 : i32
    return %arg0, %c0_i32 : i32, i32
  }
}

module attributes {stable_mosaic.version = 14 : i64} {
  func.func @_router_body(%arg0: memref<2048x1024xf32, #tpu.memory_space<vmem>>, %arg1: memref<64x1024xf32, #tpu.memory_space<vmem>>, %arg2: memref<2048x64xf32, #tpu.memory_space<vmem>>, %arg3: memref<1x2048xi32, #tpu.memory_space<vmem>>, %arg4: memref<1x96xi32, #tpu.memory_space<vmem>>, %arg5: memref<1x96xi32, #tpu.memory_space<vmem>>) attributes {dimension_semantics = [], scalar_prefetch = 0 : i64, scratch_operands = 0 : i64, tpu.core_type = #tpu.core_type<tc>} {
    %get3A = arith.constant 0 : index
    %get3A_0 = arith.constant 0 : index
    %get3A_1 = vector.load %arg0[%get3A, %get3A_0] : memref<2048x1024xf32, #tpu.memory_space<vmem>>, vector<2048x1024xf32>
    %get3A_2 = arith.constant 0 : index
    %get3A_3 = arith.constant 0 : index
    %get3A_4 = vector.load %arg1[%get3A_2, %get3A_3] : memref<64x1024xf32, #tpu.memory_space<vmem>>, vector<64x1024xf32>
    %dot_general3A = arith.constant dense<0.000000e+00> : vector<2048x64xf32>
    %dot_general3A_5 = tpu.matmul %get3A_1, %get3A_4, %dot_general3A {dimension_numbers = #tpu.dot_dimension_numbers<[1], [1], [0], [0], [0, 0, 1, 0], [], []>, transpose_lhs_hint = false} : vector<2048x1024xf32>, vector<64x1024xf32>, vector<2048x64xf32> -> vector<2048x64xf32>
    %swap3A = arith.constant 0 : index
    %swap3A_6 = arith.constant 0 : index
    %swap3A_7 = vector.load %arg2[%swap3A, %swap3A_6] : memref<2048x64xf32, #tpu.memory_space<vmem>>, vector<2048x64xf32>
    tpu.vector_store %arg2[%swap3A, %swap3A_6], %dot_general3A_5 {strides = array<i32>} : memref<2048x64xf32, #tpu.memory_space<vmem>>, vector<2048x64xf32>,
    %reduce_max3A = arith.constant dense<0xFF800000> : vector<2048xf32>
    %reduce_max3A_8 = vector.multi_reduction <maximumf>, %dot_general3A_5, %reduce_max3A [1] : vector<2048x64xf32> to vector<2048xf32>
    %broadcast_in_dim3A = vector.shape_cast %reduce_max3A_8 : vector<2048xf32> to vector<2048x1xf32>
    %iota3A = tpu.iota {dimensions = array<i32: 1>} : vector<2048x64xi32>
    %eq3A = vector.broadcast %broadcast_in_dim3A : vector<2048x1xf32> to vector<2048x64xf32>
    %eq3A_9 = arith.cmpf oeq, %dot_general3A_5, %eq3A : vector<2048x64xf32>
    %jit3A = arith.constant 64 : i32
    %broadcast_in_dim3A_10 = vector.broadcast %jit3A : i32 to vector<2048x64xi32>
    %select_n3A = arith.select %eq3A_9, %iota3A, %broadcast_in_dim3A_10 : vector<2048x64xi1>, vector<2048x64xi32>
    %reduce_min3A = arith.constant dense<2147483647> : vector<2048xi32>
    %reduce_min3A_11 = vector.multi_reduction <minsi>, %select_n3A, %reduce_min3A [1] : vector<2048x64xi32> to vector<2048xi32>
    %broadcast_in_dim3A_12 = vector.shape_cast %reduce_min3A_11 : vector<2048xi32> to vector<2048x1xi32>
    %eq3A_13 = vector.broadcast %broadcast_in_dim3A_12 : vector<2048x1xi32> to vector<2048x64xi32>
    %eq3A_14 = arith.cmpi eq, %iota3A, %eq3A_13 : vector<2048x64xi32>
    %convert_element_type3A = arith.extui %eq3A_14 : vector<2048x64xi1> to vector<2048x64xi32>
    %broadcast_in_dim3A_15 = arith.constant 0 : i32
    %broadcast_in_dim3A_16 = vector.broadcast %broadcast_in_dim3A_15 : i32 to vector<1x64xi32>
    %slice3A = vector.extract_strided_slice %convert_element_type3A {offsets = [0, 0], sizes = [2047, 64], strides = [1, 1]} : vector<2048x64xi32> to vector<2047x64xi32>
    %concatenate3A = tpu.concatenate %broadcast_in_dim3A_16, %slice3A in 0 : vector<1x64xi32>, vector<2047x64xi32> -> vector<2048x64xi32>
    %add3A = arith.addi %convert_element_type3A, %concatenate3A : vector<2048x64xi32>
    %broadcast_in_dim3A_17 = arith.constant 0 : i32
    %broadcast_in_dim3A_18 = vector.broadcast %broadcast_in_dim3A_17 : i32 to vector<2x64xi32>
    %slice3A_19 = vector.extract_strided_slice %add3A {offsets = [0, 0], sizes = [2046, 64], strides = [1, 1]} : vector<2048x64xi32> to vector<2046x64xi32>
    %concatenate3A_20 = tpu.concatenate %broadcast_in_dim3A_18, %slice3A_19 in 0 : vector<2x64xi32>, vector<2046x64xi32> -> vector<2048x64xi32>
    %add3A_21 = arith.addi %add3A, %concatenate3A_20 : vector<2048x64xi32>
    %broadcast_in_dim3A_22 = arith.constant 0 : i32
    %broadcast_in_dim3A_23 = vector.broadcast %broadcast_in_dim3A_22 : i32 to vector<4x64xi32>
    %slice3A_24 = vector.extract_strided_slice %add3A_21 {offsets = [0, 0], sizes = [2044, 64], strides = [1, 1]} : vector<2048x64xi32> to vector<2044x64xi32>
    %concatenate3A_25 = tpu.concatenate %broadcast_in_dim3A_23, %slice3A_24 in 0 : vector<4x64xi32>, vector<2044x64xi32> -> vector<2048x64xi32>
    %add3A_26 = arith.addi %add3A_21, %concatenate3A_25 : vector<2048x64xi32>
    %broadcast_in_dim3A_27 = arith.constant 0 : i32
    %broadcast_in_dim3A_28 = vector.broadcast %broadcast_in_dim3A_27 : i32 to vector<8x64xi32>
    %slice3A_29 = vector.extract_strided_slice %add3A_26 {offsets = [0, 0], sizes = [2040, 64], strides = [1, 1]} : vector<2048x64xi32> to vector<2040x64xi32>
    %concatenate3A_30 = tpu.concatenate %broadcast_in_dim3A_28, %slice3A_29 in 0 : vector<8x64xi32>, vector<2040x64xi32> -> vector<2048x64xi32>
    %add3A_31 = arith.addi %add3A_26, %concatenate3A_30 : vector<2048x64xi32>
    %broadcast_in_dim3A_32 = arith.constant 0 : i32
    %broadcast_in_dim3A_33 = vector.broadcast %broadcast_in_dim3A_32 : i32 to vector<16x64xi32>
    %slice3A_34 = vector.extract_strided_slice %add3A_31 {offsets = [0, 0], sizes = [2032, 64], strides = [1, 1]} : vector<2048x64xi32> to vector<2032x64xi32>
    %concatenate3A_35 = tpu.concatenate %broadcast_in_dim3A_33, %slice3A_34 in 0 : vector<16x64xi32>, vector<2032x64xi32> -> vector<2048x64xi32>
    %add3A_36 = arith.addi %add3A_31, %concatenate3A_35 : vector<2048x64xi32>
    %broadcast_in_dim3A_37 = arith.constant 0 : i32
    %broadcast_in_dim3A_38 = vector.broadcast %broadcast_in_dim3A_37 : i32 to vector<32x64xi32>
    %slice3A_39 = vector.extract_strided_slice %add3A_36 {offsets = [0, 0], sizes = [2016, 64], strides = [1, 1]} : vector<2048x64xi32> to vector<2016x64xi32>
    %concatenate3A_40 = tpu.concatenate %broadcast_in_dim3A_38, %slice3A_39 in 0 : vector<32x64xi32>, vector<2016x64xi32> -> vector<2048x64xi32>
    %add3A_41 = arith.addi %add3A_36, %concatenate3A_40 : vector<2048x64xi32>
    %broadcast_in_dim3A_42 = arith.constant 0 : i32
    %broadcast_in_dim3A_43 = vector.broadcast %broadcast_in_dim3A_42 : i32 to vector<64x64xi32>
    %slice3A_44 = vector.extract_strided_slice %add3A_41 {offsets = [0, 0], sizes = [1984, 64], strides = [1, 1]} : vector<2048x64xi32> to vector<1984x64xi32>
    %concatenate3A_45 = tpu.concatenate %broadcast_in_dim3A_43, %slice3A_44 in 0 : vector<64x64xi32>, vector<1984x64xi32> -> vector<2048x64xi32>
    %add3A_46 = arith.addi %add3A_41, %concatenate3A_45 : vector<2048x64xi32>
    %broadcast_in_dim3A_47 = arith.constant 0 : i32
    %broadcast_in_dim3A_48 = vector.broadcast %broadcast_in_dim3A_47 : i32 to vector<128x64xi32>
    %slice3A_49 = vector.extract_strided_slice %add3A_46 {offsets = [0, 0], sizes = [1920, 64], strides = [1, 1]} : vector<2048x64xi32> to vector<1920x64xi32>
    %concatenate3A_50 = tpu.concatenate %broadcast_in_dim3A_48, %slice3A_49 in 0 : vector<128x64xi32>, vector<1920x64xi32> -> vector<2048x64xi32>
    %add3A_51 = arith.addi %add3A_46, %concatenate3A_50 : vector<2048x64xi32>
    %broadcast_in_dim3A_52 = arith.constant 0 : i32
    %broadcast_in_dim3A_53 = vector.broadcast %broadcast_in_dim3A_52 : i32 to vector<256x64xi32>
    %slice3A_54 = vector.extract_strided_slice %add3A_51 {offsets = [0, 0], sizes = [1792, 64], strides = [1, 1]} : vector<2048x64xi32> to vector<1792x64xi32>
    %concatenate3A_55 = tpu.concatenate %broadcast_in_dim3A_53, %slice3A_54 in 0 : vector<256x64xi32>, vector<1792x64xi32> -> vector<2048x64xi32>
    %add3A_56 = arith.addi %add3A_51, %concatenate3A_55 : vector<2048x64xi32>
    %broadcast_in_dim3A_57 = arith.constant 0 : i32
    %broadcast_in_dim3A_58 = vector.broadcast %broadcast_in_dim3A_57 : i32 to vector<512x64xi32>
    %slice3A_59 = vector.extract_strided_slice %add3A_56 {offsets = [0, 0], sizes = [1536, 64], strides = [1, 1]} : vector<2048x64xi32> to vector<1536x64xi32>
    %concatenate3A_60 = tpu.concatenate %broadcast_in_dim3A_58, %slice3A_59 in 0 : vector<512x64xi32>, vector<1536x64xi32> -> vector<2048x64xi32>
    %add3A_61 = arith.addi %add3A_56, %concatenate3A_60 : vector<2048x64xi32>
    %broadcast_in_dim3A_62 = arith.constant 0 : i32
    %broadcast_in_dim3A_63 = vector.broadcast %broadcast_in_dim3A_62 : i32 to vector<1024x64xi32>
    %slice3A_64 = vector.extract_strided_slice %add3A_61 {offsets = [0, 0], sizes = [1024, 64], strides = [1, 1]} : vector<2048x64xi32> to vector<1024x64xi32>
    %concatenate3A_65 = tpu.concatenate %broadcast_in_dim3A_63, %slice3A_64 in 0 : vector<1024x64xi32>, vector<1024x64xi32> -> vector<2048x64xi32>
    %add3A_66 = arith.addi %add3A_61, %concatenate3A_65 : vector<2048x64xi32>
    %mul3A = arith.muli %convert_element_type3A, %add3A_66 : vector<2048x64xi32>
    %reduce_sum3A = arith.constant dense<0> : vector<2048xi32>
    %reduce_sum3A_67 = vector.multi_reduction <add>, %mul3A, %reduce_sum3A [1] : vector<2048x64xi32> to vector<2048xi32>
    %sub3A = arith.constant 1 : i32
    %sub3A_68 = vector.broadcast %sub3A : i32 to vector<2048xi32>
    %sub3A_69 = arith.subi %reduce_sum3A_67, %sub3A_68 : vector<2048xi32>
    %slice3A_70 = vector.extract_strided_slice %add3A_66 {offsets = [2047, 0], sizes = [1, 64], strides = [1, 1]} : vector<2048x64xi32> to vector<1x64xi32>
    %add3A_71 = arith.constant 63 : i32
    %add3A_72 = vector.broadcast %add3A_71 : i32 to vector<1x64xi32>
    %add3A_73 = arith.addi %slice3A_70, %add3A_72 : vector<1x64xi32>
    %jit3A_74 = arith.constant 64 : i32
    %div3A = vector.broadcast %jit3A_74 : i32 to vector<1x64xi32>
    %div3A_75 = arith.divsi %add3A_73, %div3A : vector<1x64xi32>
    %sign3A = arith.constant 0 : i32
    %sign3A_76 = vector.broadcast %sign3A : i32 to vector<1x64xi32>
    %sign3A_77 = arith.cmpi sgt, %add3A_73, %sign3A_76 : vector<1x64xi32>
    %sign3A_78 = arith.extui %sign3A_77 : vector<1x64xi1> to vector<1x64xi32>
    %sign3A_79 = arith.constant 0 : i32
    %sign3A_80 = vector.broadcast %sign3A_79 : i32 to vector<1x64xi32>
    %sign3A_81 = arith.cmpi slt, %add3A_73, %sign3A_80 : vector<1x64xi32>
    %sign3A_82 = arith.extui %sign3A_81 : vector<1x64xi1> to vector<1x64xi32>
    %sign3A_83 = arith.subi %sign3A_78, %sign3A_82 : vector<1x64xi32>
    %sign3A_84 = arith.constant 0 : i32
    %sign3A_85 = arith.cmpi sgt, %jit3A_74, %sign3A_84 : i32
    %sign3A_86 = arith.extui %sign3A_85 : i1 to i32
    %sign3A_87 = arith.constant 0 : i32
    %sign3A_88 = arith.cmpi slt, %jit3A_74, %sign3A_87 : i32
    %sign3A_89 = arith.extui %sign3A_88 : i1 to i32
    %sign3A_90 = arith.subi %sign3A_86, %sign3A_89 : i32
    %ne3A = vector.broadcast %sign3A_90 : i32 to vector<1x64xi32>
    %ne3A_91 = arith.cmpi ne, %sign3A_83, %ne3A : vector<1x64xi32>
    %rem3A = vector.broadcast %jit3A_74 : i32 to vector<1x64xi32>
    %rem3A_92 = arith.remsi %add3A_73, %rem3A : vector<1x64xi32>
    %ne3A_93 = arith.constant 0 : i32
    %ne3A_94 = vector.broadcast %ne3A_93 : i32 to vector<1x64xi32>
    %ne3A_95 = arith.cmpi ne, %rem3A_92, %ne3A_94 : vector<1x64xi32>
    %and3A = arith.andi %ne3A_91, %ne3A_95 : vector<1x64xi1>
    %sub3A_96 = arith.constant 1 : i32
    %sub3A_97 = vector.broadcast %sub3A_96 : i32 to vector<1x64xi32>
    %sub3A_98 = arith.subi %div3A_75, %sub3A_97 : vector<1x64xi32>
    %select_n3A_99 = arith.select %and3A, %sub3A_98, %div3A_75 : vector<1x64xi1>, vector<1x64xi32>
    %mul3A_100 = arith.constant 64 : i32
    %mul3A_101 = vector.broadcast %mul3A_100 : i32 to vector<1x64xi32>
    %mul3A_102 = arith.muli %select_n3A_99, %mul3A_101 : vector<1x64xi32>
    %broadcast_in_dim3A_103 = arith.constant 0 : i32
    %broadcast_in_dim3A_104 = vector.broadcast %broadcast_in_dim3A_103 : i32 to vector<1x1xi32>
    %slice3A_105 = vector.extract_strided_slice %mul3A_102 {offsets = [0, 0], sizes = [1, 63], strides = [1, 1]} : vector<1x64xi32> to vector<1x63xi32>
    %concatenate3A_106 = tpu.concatenate %broadcast_in_dim3A_104, %slice3A_105 in 1 : vector<1x1xi32>, vector<1x63xi32> -> vector<1x64xi32>
    %add3A_107 = arith.addi %mul3A_102, %concatenate3A_106 : vector<1x64xi32>
    %broadcast_in_dim3A_108 = arith.constant 0 : i32
    %broadcast_in_dim3A_109 = vector.broadcast %broadcast_in_dim3A_108 : i32 to vector<1x2xi32>
    %slice3A_110 = vector.extract_strided_slice %add3A_107 {offsets = [0, 0], sizes = [1, 62], strides = [1, 1]} : vector<1x64xi32> to vector<1x62xi32>
    %concatenate3A_111 = tpu.concatenate %broadcast_in_dim3A_109, %slice3A_110 in 1 : vector<1x2xi32>, vector<1x62xi32> -> vector<1x64xi32>
    %add3A_112 = arith.addi %add3A_107, %concatenate3A_111 : vector<1x64xi32>
    %broadcast_in_dim3A_113 = arith.constant 0 : i32
    %broadcast_in_dim3A_114 = vector.broadcast %broadcast_in_dim3A_113 : i32 to vector<1x4xi32>
    %slice3A_115 = vector.extract_strided_slice %add3A_112 {offsets = [0, 0], sizes = [1, 60], strides = [1, 1]} : vector<1x64xi32> to vector<1x60xi32>
    %concatenate3A_116 = tpu.concatenate %broadcast_in_dim3A_114, %slice3A_115 in 1 : vector<1x4xi32>, vector<1x60xi32> -> vector<1x64xi32>
    %add3A_117 = arith.addi %add3A_112, %concatenate3A_116 : vector<1x64xi32>
    %broadcast_in_dim3A_118 = arith.constant 0 : i32
    %broadcast_in_dim3A_119 = vector.broadcast %broadcast_in_dim3A_118 : i32 to vector<1x8xi32>
    %slice3A_120 = vector.extract_strided_slice %add3A_117 {offsets = [0, 0], sizes = [1, 56], strides = [1, 1]} : vector<1x64xi32> to vector<1x56xi32>
    %concatenate3A_121 = tpu.concatenate %broadcast_in_dim3A_119, %slice3A_120 in 1 : vector<1x8xi32>, vector<1x56xi32> -> vector<1x64xi32>
    %add3A_122 = arith.addi %add3A_117, %concatenate3A_121 : vector<1x64xi32>
    %broadcast_in_dim3A_123 = arith.constant 0 : i32
    %broadcast_in_dim3A_124 = vector.broadcast %broadcast_in_dim3A_123 : i32 to vector<1x16xi32>
    %slice3A_125 = vector.extract_strided_slice %add3A_122 {offsets = [0, 0], sizes = [1, 48], strides = [1, 1]} : vector<1x64xi32> to vector<1x48xi32>
    %concatenate3A_126 = tpu.concatenate %broadcast_in_dim3A_124, %slice3A_125 in 1 : vector<1x16xi32>, vector<1x48xi32> -> vector<1x64xi32>
    %add3A_127 = arith.addi %add3A_122, %concatenate3A_126 : vector<1x64xi32>
    %broadcast_in_dim3A_128 = arith.constant 0 : i32
    %broadcast_in_dim3A_129 = vector.broadcast %broadcast_in_dim3A_128 : i32 to vector<1x32xi32>
    %slice3A_130 = vector.extract_strided_slice %add3A_127 {offsets = [0, 0], sizes = [1, 32], strides = [1, 1]} : vector<1x64xi32> to vector<1x32xi32>
    %concatenate3A_131 = tpu.concatenate %broadcast_in_dim3A_129, %slice3A_130 in 1 : vector<1x32xi32>, vector<1x32xi32> -> vector<1x64xi32>
    %add3A_132 = arith.addi %add3A_127, %concatenate3A_131 : vector<1x64xi32>
    %sub3A_133 = arith.subi %add3A_132, %mul3A_102 : vector<1x64xi32>
    %jit3A_134 = arith.constant 64 : i32
    %div3A_135 = vector.broadcast %jit3A_134 : i32 to vector<1x64xi32>
    %div3A_136 = arith.divsi %add3A_132, %div3A_135 : vector<1x64xi32>
    %sign3A_137 = arith.constant 0 : i32
    %sign3A_138 = vector.broadcast %sign3A_137 : i32 to vector<1x64xi32>
    %sign3A_139 = arith.cmpi sgt, %add3A_132, %sign3A_138 : vector<1x64xi32>
    %sign3A_140 = arith.extui %sign3A_139 : vector<1x64xi1> to vector<1x64xi32>
    %sign3A_141 = arith.constant 0 : i32
    %sign3A_142 = vector.broadcast %sign3A_141 : i32 to vector<1x64xi32>
    %sign3A_143 = arith.cmpi slt, %add3A_132, %sign3A_142 : vector<1x64xi32>
    %sign3A_144 = arith.extui %sign3A_143 : vector<1x64xi1> to vector<1x64xi32>
    %sign3A_145 = arith.subi %sign3A_140, %sign3A_144 : vector<1x64xi32>
    %sign3A_146 = arith.constant 0 : i32
    %sign3A_147 = arith.cmpi sgt, %jit3A_134, %sign3A_146 : i32
    %sign3A_148 = arith.extui %sign3A_147 : i1 to i32
    %sign3A_149 = arith.constant 0 : i32
    %sign3A_150 = arith.cmpi slt, %jit3A_134, %sign3A_149 : i32
    %sign3A_151 = arith.extui %sign3A_150 : i1 to i32
    %sign3A_152 = arith.subi %sign3A_148, %sign3A_151 : i32
    %ne3A_153 = vector.broadcast %sign3A_152 : i32 to vector<1x64xi32>
    %ne3A_154 = arith.cmpi ne, %sign3A_145, %ne3A_153 : vector<1x64xi32>
    %rem3A_155 = vector.broadcast %jit3A_134 : i32 to vector<1x64xi32>
    %rem3A_156 = arith.remsi %add3A_132, %rem3A_155 : vector<1x64xi32>
    %ne3A_157 = arith.constant 0 : i32
    %ne3A_158 = vector.broadcast %ne3A_157 : i32 to vector<1x64xi32>
    %ne3A_159 = arith.cmpi ne, %rem3A_156, %ne3A_158 : vector<1x64xi32>
    %and3A_160 = arith.andi %ne3A_154, %ne3A_159 : vector<1x64xi1>
    %sub3A_161 = arith.constant 1 : i32
    %sub3A_162 = vector.broadcast %sub3A_161 : i32 to vector<1x64xi32>
    %sub3A_163 = arith.subi %div3A_136, %sub3A_162 : vector<1x64xi32>
    %select_n3A_164 = arith.select %and3A_160, %sub3A_163, %div3A_136 : vector<1x64xi1>, vector<1x64xi32>
    %iota3A_165 = tpu.iota {dimensions = array<i32: 0>} : vector<96x64xi32>
    %le3A = vector.broadcast %select_n3A_164 : vector<1x64xi32> to vector<96x64xi32>
    %le3A_166 = arith.cmpi sle, %le3A, %iota3A_165 : vector<96x64xi32>
    %convert_element_type3A_167 = arith.extui %le3A_166 : vector<96x64xi1> to vector<96x64xi32>
    %reduce_sum3A_168 = arith.constant dense<0> : vector<96xi32>
    %reduce_sum3A_169 = vector.multi_reduction <add>, %convert_element_type3A_167, %reduce_sum3A_168 [1] : vector<96x64xi32> to vector<96xi32>
    %iota3A_170 = tpu.iota {dimensions = array<i32: 1>} : vector<1x64xi32>
    %gt3A = arith.constant 0 : i32
    %gt3A_171 = vector.broadcast %gt3A : i32 to vector<1x64xi32>
    %gt3A_172 = arith.cmpi sgt, %slice3A_70, %gt3A_171 : vector<1x64xi32>
    %jit3A_173 = arith.constant 0 : i32
    %broadcast_in_dim3A_174 = vector.broadcast %jit3A_173 : i32 to vector<1x64xi32>
    %select_n3A_175 = arith.select %gt3A_172, %iota3A_170, %broadcast_in_dim3A_174 : vector<1x64xi1>, vector<1x64xi32>
    %reduce_max3A_176 = vector.shape_cast %select_n3A_175 : vector<1x64xi32> to vector<1x1x64xi32>
    %reduce_max3A_177 = arith.constant dense<-2147483648> : vector<1xi32>
    %reduce_max3A_178 = vector.multi_reduction <maxsi>, %reduce_max3A_176, %reduce_max3A_177 [1, 2] : vector<1x1x64xi32> to vector<1xi32>
    %reduce_max3A_179 = vector.shape_cast %reduce_max3A_178 : vector<1xi32> to vector<1x1x1xi32>
    %reduce_max3A_180 = vector.extract %reduce_max3A_179[0, 0, 0] : i32 from vector<1x1x1xi32>
    %min3A = vector.broadcast %reduce_max3A_180 : i32 to vector<96xi32>
    %min3A_181 = arith.minsi %reduce_sum3A_169, %min3A : vector<96xi32>
    %broadcast_in_dim3A_182 = vector.shape_cast %min3A_181 : vector<96xi32> to vector<1x96xi32>
    %swap3A_183 = arith.constant 0 : index
    %swap3A_184 = arith.constant 0 : index
    %swap3A_185 = vector.load %arg4[%swap3A_183, %swap3A_184] : memref<1x96xi32, #tpu.memory_space<vmem>>, vector<1x96xi32>
    tpu.vector_store %arg4[%swap3A_183, %swap3A_184], %broadcast_in_dim3A_182 {strides = array<i32>} : memref<1x96xi32, #tpu.memory_space<vmem>>, vector<1x96xi32>,
    %slice3A_186 = vector.extract_strided_slice %add3A_132 {offsets = [0, 63], sizes = [1, 1], strides = [1, 1]} : vector<1x64xi32> to vector<1x1xi32>
    %squeeze3A = vector.extract %slice3A_186[0, 0] : i32 from vector<1x1xi32>
    %jit3A_187 = arith.constant 64 : i32
    %div3A_188 = arith.divsi %squeeze3A, %jit3A_187 : i32
    %sign3A_189 = arith.constant 0 : i32
    %sign3A_190 = arith.cmpi sgt, %squeeze3A, %sign3A_189 : i32
    %sign3A_191 = arith.extui %sign3A_190 : i1 to i32
    %sign3A_192 = arith.constant 0 : i32
    %sign3A_193 = arith.cmpi slt, %squeeze3A, %sign3A_192 : i32
    %sign3A_194 = arith.extui %sign3A_193 : i1 to i32
    %sign3A_195 = arith.subi %sign3A_191, %sign3A_194 : i32
    %sign3A_196 = arith.constant 0 : i32
    %sign3A_197 = arith.cmpi sgt, %jit3A_187, %sign3A_196 : i32
    %sign3A_198 = arith.extui %sign3A_197 : i1 to i32
    %sign3A_199 = arith.constant 0 : i32
    %sign3A_200 = arith.cmpi slt, %jit3A_187, %sign3A_199 : i32
    %sign3A_201 = arith.extui %sign3A_200 : i1 to i32
    %sign3A_202 = arith.subi %sign3A_198, %sign3A_201 : i32
    %ne3A_203 = arith.cmpi ne, %sign3A_195, %sign3A_202 : i32
    %rem3A_204 = arith.remsi %squeeze3A, %jit3A_187 : i32
    %ne3A_205 = arith.constant 0 : i32
    %ne3A_206 = arith.cmpi ne, %rem3A_204, %ne3A_205 : i32
    %and3A_207 = arith.andi %ne3A_203, %ne3A_206 : i1
    %sub3A_208 = arith.constant 1 : i32
    %sub3A_209 = arith.subi %div3A_188, %sub3A_208 : i32
    %select_n3A_210 = arith.select %and3A_207, %sub3A_209, %div3A_188 : i32
    %broadcast_in_dim3A_211 = vector.broadcast %select_n3A_210 : i32 to vector<1x96xi32>
    %swap3A_212 = arith.constant 0 : index
    %swap3A_213 = arith.constant 0 : index
    %swap3A_214 = vector.load %arg5[%swap3A_212, %swap3A_213] : memref<1x96xi32, #tpu.memory_space<vmem>>, vector<1x96xi32>
    tpu.vector_store %arg5[%swap3A_212, %swap3A_213], %broadcast_in_dim3A_211 {strides = array<i32>} : memref<1x96xi32, #tpu.memory_space<vmem>>, vector<1x96xi32>,
    %mul3A_215 = vector.broadcast %sub3A_133 : vector<1x64xi32> to vector<2048x64xi32>
    %mul3A_216 = arith.muli %convert_element_type3A, %mul3A_215 : vector<2048x64xi32>
    %reduce_sum3A_217 = arith.constant dense<0> : vector<2048xi32>
    %reduce_sum3A_218 = vector.multi_reduction <add>, %mul3A_216, %reduce_sum3A_217 [1] : vector<2048x64xi32> to vector<2048xi32>
    %add3A_219 = arith.addi %reduce_sum3A_218, %sub3A_69 : vector<2048xi32>
    %broadcast_in_dim3A_220 = vector.shape_cast %add3A_219 : vector<2048xi32> to vector<1x2048xi32>
    %swap3A_221 = arith.constant 0 : index
    %swap3A_222 = arith.constant 0 : index
    %swap3A_223 = vector.load %arg3[%swap3A_221, %swap3A_222] : memref<1x2048xi32, #tpu.memory_space<vmem>>, vector<1x2048xi32>
    tpu.vector_store %arg3[%swap3A_221, %swap3A_222], %broadcast_in_dim3A_220 {strides = array<i32>} : memref<1x2048xi32, #tpu.memory_space<vmem>>, vector<1x2048xi32>,
    return
  }
}

</mosaic_0001>

<sc_bundles>
// kernel: kernel.6.cloned.1.call-start
scs
__scs_entry_jumppad:
0x0: {  	(pc) =	sbr.rel $0x88, $3  }
0x1: {  	(tag) =	ssettag $0x0;
	lr =	simm.s32 $0x1  }
0x2: {  	[smem:$0x3F9C] =	sst lr;
	_ =	strace $0xD0000000  }
0x3: {  	_ = 	snop  }
0x4: {  	_ = 	snop  }
0x5: {  	_ = 	snop  }
0x6: {  	_ = 	snop  }
0x7: {  	_ = 	snop  }
__scs_overlays_trampoline_lowered:
0x8: {  	[smem:$0x3FAB] =	sst s0  }
0x9: {  	[smem:$0x3FAC] =	sst s1  }
0xa: {  	[smem:$0x3FAD] =	sst s2  }
0xb: {  	[smem:$0x3FAE] =	sst s3  }
0xc: {  	[smem:$0x3FAF] =	sst s4  }
0xd: {  	[smem:$0x3FB0] =	sst s5  }
0xe: {  	[smem:$0x3FB1] =	sst s6  }
0xf: {  	[smem:$0x3FB2] =	sst s7  }
0x10: {  	[smem:$0x3FB3] =	sst s8  }
0x11: {  	[smem:$0x3FB4] =	sst s9;
	s0 =	simm.s32 @!p0 $0x0  }
0x12: {  	s1 =	sld [smem:$0x3F9A];
	s0 =	simm.s32 @p0 $0x1  }
0x13: {  	[smem:$0x3FB5] =	sst s0;
	s0 =	simm.s32 @!p1 $0x0  }
0x14: {  	s2 =	sld [smem:$0x3F99];
	s0 =	simm.s32 @p1 $0x1  }
0x15: {  	[smem:$0x3FB6] =	sst s0;
	s0 =	simm.s32 @!p2 $0x0  }
0x16: {  	s3 =	sld [smem:$0x3FDB];
	s0 =	simm.s32 @p2 $0x1  }
0x17: {  	s4 =	simm.s32 $0x1BF5;
	[smem:$0x3FB8] =	sst s0  }
0x18: {  	s0 =	sld [smem:$0x3F9B];
	_ =	swait.ge [sflag:s4], $0x0  }
0x19: {  	s7 =	sld [smem:$0x3F9C]  }
0x1a: {  	s8 =	sadd.s32 $0xFFFFE003, lr  }
0x1b: {  	s9 =	sadd.s32 $0xFFFFFEF7, lr;
	s5 =	simm.s32 $0xFFFFFFFF;
	p2 =	slt.u32 s8, $0xFFFFF086  }
0x1c: {  	p1 =	slt.u32 s9, $0xF7A;
	s5 =	simm.s32 @!p2 $0x0  }
0x1d: {  	s5 =	simm.s32 @p1 $0x1;
	p0 =	seq.s32 s7, s2  }
0x1e: {  	s7 =	smul.u32 @!p0 $0xF7A, s2;
	p2 =	seq.s32 @!p0 s5, $0x0  }
0x1f: {  	s9 =	smul.u32 $0xF7A, s1;
	s8 =	simm.s32 @!p0 $0x1BF5;
	p2 =	por !p2, p0  }
0x20: {  	[sflag:s8] =	ssyncset.s32 @!p0 $0xFFFFF086;
	s6 =	sadd.s32 @!p0 s3, s7;
	s7 =	simm.s32 @!p0 $0x108  }
0x21: {  	s3 =	sadd.s32 s3, s9;
	s6 =	sadd.s32 @!p0 $0x88, s6;
	s7 =	simm.s32 @p2 $0x1082  }
0x22: {  	[simem:s7], [sflag:s8] =	dma.local @!p0 [hbm:s6], $0xF7A  }
0x23: {  	s9 =	sor.u32 $0xD0000000, s2;
	s6 =	simm.s32 $0x108;
	_ =	swait.ge @!p0 [sflag:s8], $0x0  }
0x24: {  	s3 =	sadd.s32 $0x88, s3;
	s6 =	simm.s32 @!p1 $0x1082;
	[sflag:s4] =	ssyncset.s32 $0xFFFFF086  }
0x25: {  	[simem:s6], [sflag:s4] =	dma.local [hbm:s3], $0xF7A  }
0x26: {  	[smem:$0x3F9C] =	sst s1;
	(tag) =	ssettag s2;
	_ =	strace s9  }
0x27: {  	s1 =	sld [smem:$0x3FAC]  }
0x28: {  	s2 =	sld [smem:$0x3FAD]  }
0x29: {  	s4 =	sld [smem:$0x3FAF]  }
0x2a: {  	p0 =	seq.s32 s5, $0x0;
	s5 =	sld [smem:$0x3FB0]  }
0x2b: {  	s6 =	sld [smem:$0x3FB1]  }
0x2c: {  	s7 =	sld [smem:$0x3FB2]  }
0x2d: {  	s3 =	simm.s32 $0x108;
	s8 =	sld [smem:$0x3FB3]  }
0x2e: {  	s3 =	simm.s32 @!p0 $0x1082;
	s9 =	sld [smem:$0x3FB4]  }
0x2f: {  	lr =	sadd.s32 s0, s3;
	s0 =	sld [smem:$0x3FAB]  }
0x30: {  	s3 =	sld [smem:$0x3FAE]  }
0x31: {  	[smem:$0x3FB7] =	sst s10  }
0x32: {  	s10 =	sld [smem:$0x3FB5];
	_ =	sdelay $0x3  }
0x33: {  	p0 =	seq.s32 s10, $0x1;
	s10 =	sld [smem:$0x3FB7];
	_ =	sdelay $0x3  }
0x34: {  	[smem:$0x3FB7] =	sst s10  }
0x35: {  	s10 =	sld [smem:$0x3FB6];
	_ =	sdelay $0x3  }
0x36: {  	p1 =	seq.s32 s10, $0x1;
	s10 =	sld [smem:$0x3FB7];
	_ =	sdelay $0x3  }
0x37: {  	[smem:$0x3FB7] =	sst s10  }
0x38: {  	s10 =	sld [smem:$0x3FB8]  }
0x39: {  	_ = 	snop;
	(pc) =	sbr.ind lr, $3  }
0x3a: {  	_ = 	snop  }
0x3b: {  	_ = 	snop  }
0x3c: {  	p2 =	seq.s32 s10, $0x1;
	s10 =	sld [smem:$0x3FB7]  }
0x3d: {  	_ =	shalt  }
0x3e: {  	_ =	shalt  }
0x3f: {  	_ =	shalt  }
0x40: {  	_ =	shalt  }
0x41: {  	_ =	shalt  }
0x42: {  	_ =	shalt  }
0x43: {  	_ =	shalt  }
0x44: {  	_ =	shalt  }
0x45: {  	_ =	shalt  }
0x46: {  	_ =	shalt  }
0x47: {  	_ =	shalt  }
0x48: {  	_ =	shalt  }
0x49: {  	_ =	shalt  }
0x4a: {  	_ =	shalt  }
0x4b: {  	_ =	shalt  }
0x4c: {  	_ =	shalt  }
0x4d: {  	_ =	shalt  }
0x4e: {  	_ =	shalt  }
0x4f: {  	_ =	shalt  }
0x50: {  	_ =	shalt  }
0x51: {  	_ =	shalt  }
0x52: {  	_ =	shalt  }
0x53: {  	_ =	shalt  }
0x54: {  	_ =	shalt  }
0x55: {  	_ =	shalt  }
0x56: {  	_ =	shalt  }
0x57: {  	_ =	shalt  }
0x58: {  	_ =	shalt  }
0x59: {  	_ =	shalt  }
0x5a: {  	_ =	shalt  }
0x5b: {  	_ =	shalt  }
0x5c: {  	_ =	shalt  }
0x5d: {  	_ =	shalt  }
0x5e: {  	_ =	shalt  }
0x5f: {  	_ =	shalt  }
0x60: {  	_ =	shalt  }
0x61: {  	_ =	shalt  }
0x62: {  	_ =	shalt  }
0x63: {  	_ =	shalt  }
0x64: {  	_ =	shalt  }
0x65: {  	_ =	shalt  }
0x66: {  	_ =	shalt  }
0x67: {  	_ =	shalt  }
0x68: {  	_ =	shalt  }
0x69: {  	_ =	shalt  }
0x6a: {  	_ =	shalt  }
0x6b: {  	_ =	shalt  }
0x6c: {  	_ =	shalt  }
0x6d: {  	_ =	shalt  }
0x6e: {  	_ =	shalt  }
0x6f: {  	_ =	shalt  }
0x70: {  	_ =	shalt  }
0x71: {  	_ =	shalt  }
0x72: {  	_ =	shalt  }
0x73: {  	_ =	shalt  }
0x74: {  	_ =	shalt  }
0x75: {  	_ =	shalt  }
0x76: {  	_ =	shalt  }
0x77: {  	_ =	shalt  }
0x78: {  	_ =	shalt  }
0x79: {  	_ =	shalt  }
0x7a: {  	_ =	shalt  }
0x7b: {  	_ =	shalt  }
0x7c: {  	_ =	shalt  }
0x7d: {  	_ =	shalt  }
0x7e: {  	_ =	shalt  }
0x7f: {  	_ =	shalt  }
0x80: {  	_ =	shalt  }
0x81: {  	_ =	shalt  }
0x82: {  	_ =	shalt  }
0x83: {  	_ =	shalt  }
0x84: {  	_ =	shalt  }
0x85: {  	_ =	shalt  }
0x86: {  	_ =	shalt  }
0x87: {  	_ =	shalt  }
.Lfunc_end0:
.L_simem_size_0:
called_computation_lowered:
.L_overlay_start_0:
0x88: {  	s2 =	sld [smem:$0x3FD9]  }
0x89: {  	s3 =	sld [smem:$0x3FFE];
	_ =	sdelay $0x1  }
0x8a: {  	s1 =	srdreg.scid  }
0x8b: {  	s0 =	sand.u32 $0x1, s1  }
0x8c: {  	s17 =	sshll.u32 s0, $0xA;
	s2 =	sadd.s32 s3, s2  }
0x8d: {  	s2 =	sadd.s32 s2, s17  }
0x8e: {  	[smem:$0x3FC3] =	sst s2  }
0x8f: {  	_ = 	snop  }
0x90: {  	s2 =	sld [smem:$0x3FC9];
	(tm) =	ssettm $0x1  }
0x91: {  	s18 =	sld [smem:$0x3FFB];
	_ =	sdelay $0x3  }
0x92: {  	_ =	strace s18  }
0x93: {  	s3 =	sld [smem:$0x3FFC];
	_ =	sdelay $0x3  }
0x94: {  	_ =	strace s3  }
0x95: {  	s3 =	sld [smem:$0x3FFD];
	_ =	sdelay $0x3  }
0x96: {  	_ =	strace s3  }
0x97: {  	_ =	strace $0x8FFFFFFF  }
0x98: {  	s19 =	sld [smem:$0x3FDB];
	_ =	sdelay $0x1  }
0x99: {  	s4 =	simm.s32 $_scs_section_size  }
0x9a: {  	s5 =	simm.s32 $_size__tile_overlayer_lowered;
	s6 =	simm.s32 $_tile_overlayer_lowered  }
0x9b: {  	s22 =	simm.s32 $0x1BFF;
	s21 =	sshll.u32 s6, $0x1;
	s3 =	sadd.s32 s4, s19  }
0x9c: {  	s7 =	simm.s32 $0x0;
	s20 =	sshll.u32 s5, $0x1;
	s5 =	sadd.s32 s21, s3  }
0x9d: {  	[timem:s7], [sflag:s22] =	dma.local [hbm:s5], s20  }
0x9e: {  	_ =	swait.ge [sflag:s22], s20  }
0x9f: {  	s4 =	ssub.s32 $0x0, s20;
	[sflag:s22] =	ssyncset.done $0x0  }
0xa0: {  	[sflag:s22] =	ssyncadd.s32 s4;
	_ =	sdelay $0x1  }
0xa1: {  	s23 =	simm.s32 $0x1B8B  }
0xa2: {  	_ =	swait.ge [sflag:s23], $0x1  }
0xa3: {  	[sflag:s23] =	ssyncset.done $0x0  }
0xa4: {  	s25 =	simm.s32 $0x1B8E;
	s24 =	sld [smem:$0x3FFE];
	[sflag:s23] =	ssyncadd.s32 $0xFFFFFFFF  }
0xa5: {  	s26 =	simm.s32 $execute0_lowered;
	[smem:$0x3FD2] =	sst s25  }
0xa6: {  	s5 =	sshll.u32 s26, $0x1;
	_ =	strace $0x80000046;
	[dreg:$0x1] =	wrdreg $0xFFFFFFFF  }
0xa7: {  	s28 =	simm.s32 $_size_execute0_lowered;
	s3 =	sadd.s32 s3, s5;
	[dreg:$0x0] =	wrdreg $0x0  }
0xa8: {  	s5 =	sshll.u32 s28, $0x1;
	[dreg:$0x2] =	wrdreg s3  }
0xa9: {  	[dreg:$0x3] =	wrdreg s5  }
0xaa: {  	[dreg:$0x4] =	wrdreg $0xC0  }
0xab: {  	_ =	task [dreg:s7], $0x5FFFF  }
0xac: {  	[dreg:$0x1] =	wrdreg $0xFFFFFFFF  }
0xad: {  	[dreg:$0x0] =	wrdreg $0x60  }
0xae: {  	[dreg:$0x2] =	wrdreg s2  }
0xaf: {  	[dreg:$0x3] =	wrdreg s24  }
0xb0: {  	[dreg:$0x4] =	wrdreg $0x9  }
0xb1: {  	_ =	task.clear_ibuf [dreg:s7], $0x5FFFF;
	_ =	strace $0x90000046  }
0xb2: {  	s29 =	simm.s32 $0x9;
	_ =	strace $0x80000048  }
0xb3: {  	_ =	swait.ge [sflag:s29], $0x1  }
0xb4: {  	[sflag:s29] =	ssyncadd.s32 $0xFFFFFFFF  }
0xb5: {  	_ =	strace $0x90000048  }
0xb6: {  	_ =	sfence  }
0xb7: {  	s30 =	sld [smem:$0x0];
	_ =	sdelay $0x2  }
0xb8: {  	s31 =	sshll.u32 s1, $0xD;
	s1 =	sshrl.u32 s1, $0x2  }
0xb9: {  	s3 =	sand.u32 $0x4000, s31;
	s1 =	sadd.s32 s1, s30  }
0xba: {  	s0 =	sor.u32 s3, s0;
	s1 =	sshll.u32 s1, $0x11  }
0xbb: {  	s0 =	sor.u32 s1, s0  }
0xbc: {  	s0 =	sadd.s32 $0x8F2B, s0  }
0xbd: {  	[sflag:s0] =	ssyncadd.remote.s32 $0x1  }
0xbe: {  	_ =	sfence.sel $0xFFFF  }
0xbf: {  	[dreg:$0x0] =	wrdreg $0xFFFFFFFF;
	(pc) =	sbr.abs _section_cstart, $3  }
0xc0: {  	[dreg:$0x1] =	wrdreg $0xFFFFFFFF  }
0xc1: {  	_ =	task.clear_ibuf [dreg:s7], $0x2FFFF;
	_ =	strace $0x9FFFFFFF  }
0xc2: {  	(tm) =	ssettm $0x7FFFFFFF  }
0xc3: {  	_ =	shalt  }
tec
execute0_lowered:
.L_overlay_start_1:
0x0: {  	(tag) =	ssettag $0x1  }
0x1: {  	s1 =	srdreg.scid;
	s3 =	rddreg [dreg:$0x0]  }
0x2: {  	s0 =	stileid.u32;
	s6 =	rddreg [dreg:$0x1];
	s18 =	simm.s32 $0x880  }
0x3: {  	s19 =	simm.s32 $0x1080;
	s20 =	simm.s32 $0x1880;
	s22 =	simm.s32 $0x2080  }
0x4: {  	s23 =	simm.s32 $0x2880;
	s7 =	simm.s32 $0x3080;
	s24 =	simm.s32 $0x3880  }
0x5: {  	s8 =	simm.s32 $0x4080;
	s25 =	simm.s32 $0x4880;
	s26 =	simm.s32 $0x5080  }
0x6: {  	s9 =	simm.s32 $0x80;
	s1 =	sand.u32 $0x1, s1;
	s2 =	sshll.u32 s0, $0x1  }
0x7: {  	s11 =	simm.s32 $0x6080;
	s4 =	sor.u32 s1, s2;
	s2 =	simm.s32 $0x0  }
0x8: {  	s12 =	simm.s32 $0x6880;
	s13 =	simm.s32 $0x7080;
	[smem:$0x7FF] =	sst s2  }
0x9: {  	s14 =	simm.s32 $0x7880;
	_ =	strace $0x80000047;
	[dreg:$0x5] =	wrdreg s18  }
0xa: {  	s15 =	simm.s32 $0x8080;
	s16 =	simm.s32 $0x8880;
	[dreg:$0x6] =	wrdreg s19  }
0xb: {  	s17 =	simm.s32 $0x9080;
	s28 =	simm.s32 $0xE080;
	[dreg:$0x7] =	wrdreg s20  }
0xc: {  	s29 =	simm.s32 $0xE880;
	s30 =	simm.s32 $0xF080;
	[dreg:$0x8] =	wrdreg s22  }
0xd: {  	s31 =	simm.s32 $0xF880;
	s1 =	ssub.s32 $0x2, s1;
	[dreg:$0x9] =	wrdreg s23  }
0xe: {  	s5 =	sshll.u32 s4, $0x4;
	s4 =	sshll.u32 s4, $0xD;
	[dreg:$0xa] =	wrdreg s7  }
0xf: {  	s21 =	sshrl.u32 s1, $0x1;
	s5 =	sadd.s32 s5, s6;
	[dreg:$0xb] =	wrdreg s24  }
0x10: {  	s3 =	sadd.s32 s3, s4;
	s1 =	ssub.s32 s1, s21;
	[dreg:$0xc] =	wrdreg s8  }
0x11: {  	s4 =	sadd.s32 $0x9100, s6;
	s8 =	simm.s32 $0x2;
	[dreg:$0xd] =	wrdreg s25  }
0x12: {  	[dreg:$0xe] =	wrdreg s26;
	s18 =	simm.s32 $0x9880;
	s19 =	simm.s32 $0xA080  }
0x13: {  	s20 =	simm.s32 $0xA880;
	s21 =	simm.s32 $0xB080;
	s22 =	simm.s32 $0xB880  }
0x14: {  	s23 =	simm.s32 $0xC080;
	s24 =	simm.s32 $0xC880;
	s25 =	simm.s32 $0xD080  }
0x15: {  	v2 =	vlaneseq.u32;
	s26 =	simm.s32 $0xD880;
	s5 =	sadd.s32 $0x8E00, s5;
	[dreg:$0x4] =	wrdreg s3  }
0x16: {  	vm0 =	vmmov $0xffff;
	v1 =	vshrl.u32 v2, $0x3;
	s3 =	sadd.s32 $0x9000, s6;
	s7 =	smax.u32 s1, $0x1;
	s1 =	simm.s32 $0x1  }
0x17: {  	v0 =	vand.u32 $0x7, v2;
	v2 =	vor.u32 $0x8, v2;
	v1 =	vmul.u32 $0x8, v1;
	[dreg:$0x3] =	wrdreg s5;
	s5 =	sadd.s32 $0x9200, s6;
	s6 =	sadd.s32 $0x9300, s6  }
.LBB2_1:
0x18: {  	s0 =	rddreg [dreg:$0x3]  }
0x19: {  	[tilespmem:s2], [sflag:$0x2] =	stream.linear.gather [hbm4b:s0+s2], $0x80, $0x38;
	[tilespmem:$0x10080] =	vst v63  }
0x1a: {  	_ =	swait.ge [sflag:s8], $0x80  }
0x1b: {  	[sflag:s8] =	ssyncset.done $0x0  }
0x1c: {  	s10 =	rddreg [dreg:$0x4];
	[sflag:s8] =	ssyncadd.s32 $0xFFFFFF80  }
0x1d: {  	[tilespmem:s9], [sflag:$0x2] =	stream.linear.gather [hbm4b:s10+s2], $0x10000, $0x38;
	[tilespmem:$0x10080] =	vst v63  }
0x1e: {  	_ =	swait.ge [sflag:s8], $0x10000  }
0x1f: {  	[sflag:s8] =	ssyncset.done $0x0  }
0x20: {  	[sflag:s8] =	ssyncadd.s32 $0xFFFF0000  }
0x21: {  	v3 =	vld [tilespmem:$0x0];
	_ =	sdelay $0x4  }
0x22: {  	v4 =	vshll.u32 v3, $0x3  }
0x23: {  	v3 =	vand.u32 $0x7, v3;
	v4 =	vand.u32 $0xFFFFFFC0, v4  }
0x24: {  	v3 =	vor.u32 v3, v4  }
0x25: {  	v4 =	vperm.xlane v3, v0;
	_ =	sdelay $0x1  }
0x26: {  	v4 =	vadd.s32 v1, v4;
	_ =	sdelay $0x4  }
0x27: {  	[hbm4b:s3+s2] =	stream.indirect_vreg.scatter [tilespmem:s9], [sflag:$0x1], $0x80, v4, vm0, $0xb8;
	[tilespmem:$0x10080] =	vst v63  }
0x28: {  	s0 =	rddreg [dreg:$0x5];
	v3 =	vperm.xlane v3, v2  }
0x29: {  	[hbm4b:s4+s2] =	stream.indirect_vreg.scatter [tilespmem:s0], [sflag:$0x1], $0x80, v4, vm0, $0xb8;
	[tilespmem:$0x10080] =	vst v63  }
0x2a: {  	s10 =	rddreg [dreg:$0x6];
	v3 =	vadd.s32 v1, v3  }
0x2b: {  	[hbm4b:s5+s2] =	stream.indirect_vreg.scatter [tilespmem:s10], [sflag:$0x1], $0x80, v4, vm0, $0xb8;
	[tilespmem:$0x10080] =	vst v63  }
0x2c: {  	s0 =	rddreg [dreg:$0x7]  }
0x2d: {  	[hbm4b:s6+s2] =	stream.indirect_vreg.scatter [tilespmem:s0], [sflag:$0x1], $0x80, v4, vm0, $0xb8;
	[tilespmem:$0x10080] =	vst v63  }
0x2e: {  	s10 =	rddreg [dreg:$0x8]  }
0x2f: {  	[hbm4b:s3+s2] =	stream.indirect_vreg.scatter [tilespmem:s10], [sflag:$0x1], $0x80, v3, vm0, $0xb8;
	[tilespmem:$0x10080] =	vst v63  }
0x30: {  	s0 =	rddreg [dreg:$0x9]  }
0x31: {  	[hbm4b:s4+s2] =	stream.indirect_vreg.scatter [tilespmem:s0], [sflag:$0x1], $0x80, v3, vm0, $0xb8;
	[tilespmem:$0x10080] =	vst v63  }
0x32: {  	s10 =	rddreg [dreg:$0xa]  }
0x33: {  	[hbm4b:s5+s2] =	stream.indirect_vreg.scatter [tilespmem:s10], [sflag:$0x1], $0x80, v3, vm0, $0xb8;
	[tilespmem:$0x10080] =	vst v63  }
0x34: {  	s0 =	rddreg [dreg:$0xb]  }
0x35: {  	[hbm4b:s6+s2] =	stream.indirect_vreg.scatter [tilespmem:s0], [sflag:$0x1], $0x80, v3, vm0, $0xb8;
	[tilespmem:$0x10080] =	vst v63  }
0x36: {  	v3 =	vld [tilespmem:$0x10];
	_ =	sdelay $0x4  }
0x37: {  	v61 =	vshll.u32 v3, $0x3  }
0x38: {  	v3 =	vand.u32 $0x7, v3;
	v4 =	vand.u32 $0xFFFFFFC0, v61  }
0x39: {  	v3 =	vor.u32 v3, v4  }
0x3a: {  	v4 =	vperm.xlane v3, v0;
	_ =	sdelay $0x1  }
0x3b: {  	v4 =	vadd.s32 v1, v4;
	_ =	sdelay $0x3  }
0x3c: {  	s0 =	rddreg [dreg:$0xc]  }
0x3d: {  	[hbm4b:s3+s2] =	stream.indirect_vreg.scatter [tilespmem:s0], [sflag:$0x1], $0x80, v4, vm0, $0xb8;
	[tilespmem:$0x10080] =	vst v63  }
0x3e: {  	s10 =	rddreg [dreg:$0xd];
	v3 =	vperm.xlane v3, v2  }
0x3f: {  	[hbm4b:s4+s2] =	stream.indirect_vreg.scatter [tilespmem:s10], [sflag:$0x1], $0x80, v4, vm0, $0xb8;
	[tilespmem:$0x10080] =	vst v63  }
0x40: {  	v3 =	vadd.s32 v1, v3;
	s0 =	rddreg [dreg:$0xe]  }
0x41: {  	[hbm4b:s5+s2] =	stream.indirect_vreg.scatter [tilespmem:s0], [sflag:$0x1], $0x80, v4, vm0, $0xb8;
	[tilespmem:$0x10080] =	vst v63  }
0x42: {  	s10 =	simm.s32 $0x5880  }
0x43: {  	[hbm4b:s6+s2] =	stream.indirect_vreg.scatter [tilespmem:s10], [sflag:$0x1], $0x80, v4, vm0, $0xb8;
	[tilespmem:$0x10080] =	vst v63  }
0x44: {  	_ = 	snop  }
0x45: {  	[hbm4b:s3+s2] =	stream.indirect_vreg.scatter [tilespmem:s11], [sflag:$0x1], $0x80, v3, vm0, $0xb8;
	[tilespmem:$0x10080] =	vst v63  }
0x46: {  	_ = 	snop  }
0x47: {  	[hbm4b:s4+s2] =	stream.indirect_vreg.scatter [tilespmem:s12], [sflag:$0x1], $0x80, v3, vm0, $0xb8;
	[tilespmem:$0x10080] =	vst v63  }
0x48: {  	_ = 	snop  }
0x49: {  	[hbm4b:s5+s2] =	stream.indirect_vreg.scatter [tilespmem:s13], [sflag:$0x1], $0x80, v3, vm0, $0xb8;
	[tilespmem:$0x10080] =	vst v63  }
0x4a: {  	_ = 	snop  }
0x4b: {  	[hbm4b:s6+s2] =	stream.indirect_vreg.scatter [tilespmem:s14], [sflag:$0x1], $0x80, v3, vm0, $0xb8;
	[tilespmem:$0x10080] =	vst v63  }
0x4c: {  	v3 =	vld [tilespmem:$0x20];
	_ =	sdelay $0x4  }
0x4d: {  	v62 =	vshll.u32 v3, $0x3  }
0x4e: {  	v3 =	vand.u32 $0x7, v3;
	v4 =	vand.u32 $0xFFFFFFC0, v62  }
0x4f: {  	v3 =	vor.u32 v3, v4  }
0x50: {  	v4 =	vperm.xlane v3, v0;
	_ =	sdelay $0x1  }
0x51: {  	v4 =	vadd.s32 v1, v4;
	_ =	sdelay $0x4  }
0x52: {  	[hbm4b:s3+s2] =	stream.indirect_vreg.scatter [tilespmem:s15], [sflag:$0x1], $0x80, v4, vm0, $0xb8;
	[tilespmem:$0x10080] =	vst v63  }
0x53: {  	v3 =	vperm.xlane v3, v2  }
0x54: {  	[hbm4b:s4+s2] =	stream.indirect_vreg.scatter [tilespmem:s16], [sflag:$0x1], $0x80, v4, vm0, $0xb8;
	[tilespmem:$0x10080] =	vst v63  }
0x55: {  	v3 =	vadd.s32 v1, v3  }
0x56: {  	[hbm4b:s5+s2] =	stream.indirect_vreg.scatter [tilespmem:s17], [sflag:$0x1], $0x80, v4, vm0, $0xb8;
	[tilespmem:$0x10080] =	vst v63  }
0x57: {  	_ = 	snop  }
0x58: {  	[hbm4b:s6+s2] =	stream.indirect_vreg.scatter [tilespmem:s18], [sflag:$0x1], $0x80, v4, vm0, $0xb8;
	[tilespmem:$0x10080] =	vst v63  }
0x59: {  	_ = 	snop  }
0x5a: {  	[hbm4b:s3+s2] =	stream.indirect_vreg.scatter [tilespmem:s19], [sflag:$0x1], $0x80, v3, vm0, $0xb8;
	[tilespmem:$0x10080] =	vst v63  }
0x5b: {  	_ = 	snop  }
0x5c: {  	[hbm4b:s4+s2] =	stream.indirect_vreg.scatter [tilespmem:s20], [sflag:$0x1], $0x80, v3, vm0, $0xb8;
	[tilespmem:$0x10080] =	vst v63  }
0x5d: {  	_ = 	snop  }
0x5e: {  	[hbm4b:s5+s2] =	stream.indirect_vreg.scatter [tilespmem:s21], [sflag:$0x1], $0x80, v3, vm0, $0xb8;
	[tilespmem:$0x10080] =	vst v63  }
0x5f: {  	_ = 	snop  }
0x60: {  	[hbm4b:s6+s2] =	stream.indirect_vreg.scatter [tilespmem:s22], [sflag:$0x1], $0x80, v3, vm0, $0xb8;
	[tilespmem:$0x10080] =	vst v63  }
0x61: {  	v3 =	vld [tilespmem:$0x30];
	_ =	sdelay $0x4  }
0x62: {  	v63 =	vshll.u32 v3, $0x3  }
0x63: {  	v3 =	vand.u32 $0x7, v3;
	v4 =	vand.u32 $0xFFFFFFC0, v63  }
0x64: {  	v3 =	vor.u32 v3, v4  }
0x65: {  	v4 =	vperm.xlane v3, v0;
	_ =	sdelay $0x1  }
0x66: {  	v4 =	vadd.s32 v1, v4;
	_ =	sdelay $0x4  }
0x67: {  	[hbm4b:s3+s2] =	stream.indirect_vreg.scatter [tilespmem:s23], [sflag:$0x1], $0x80, v4, vm0, $0xb8;
	[tilespmem:$0x10080] =	vst v63  }
0x68: {  	v3 =	vperm.xlane v3, v2  }
0x69: {  	[hbm4b:s4+s2] =	stream.indirect_vreg.scatter [tilespmem:s24], [sflag:$0x1], $0x80, v4, vm0, $0xb8;
	[tilespmem:$0x10080] =	vst v63  }
0x6a: {  	v3 =	vadd.s32 v1, v3  }
0x6b: {  	[hbm4b:s5+s2] =	stream.indirect_vreg.scatter [tilespmem:s25], [sflag:$0x1], $0x80, v4, vm0, $0xb8;
	[tilespmem:$0x10080] =	vst v63  }
0x6c: {  	_ = 	snop  }
0x6d: {  	[hbm4b:s6+s2] =	stream.indirect_vreg.scatter [tilespmem:s26], [sflag:$0x1], $0x80, v4, vm0, $0xb8;
	[tilespmem:$0x10080] =	vst v63  }
0x6e: {  	_ = 	snop  }
0x6f: {  	[hbm4b:s3+s2] =	stream.indirect_vreg.scatter [tilespmem:s28], [sflag:$0x1], $0x80, v3, vm0, $0xb8;
	[tilespmem:$0x10080] =	vst v63  }
0x70: {  	_ = 	snop  }
0x71: {  	[hbm4b:s4+s2] =	stream.indirect_vreg.scatter [tilespmem:s29], [sflag:$0x1], $0x80, v3, vm0, $0xb8;
	[tilespmem:$0x10080] =	vst v63  }
0x72: {  	p0 =	sne.s32 s7, $0x1  }
0x73: {  	[hbm4b:s5+s2] =	stream.indirect_vreg.scatter [tilespmem:s30], [sflag:$0x1], $0x80, v3, vm0, $0xb8;
	[tilespmem:$0x10080] =	vst v63  }
.Ltmp0:
0x74: {  	_ = 	snop;
	(pc) =	sbr.rel @p0 .LBB2_1-.Ltmp0, $4  }
0x75: {  	[hbm4b:s6+s2] =	stream.indirect_vreg.scatter [tilespmem:s31], [sflag:$0x1], $0x80, v3, vm0, $0xb8;
	[tilespmem:$0x10080] =	vst v63  }
0x76: {  	_ =	swait.ge [sflag:s1], $0x10000  }
0x77: {  	[sflag:s1] =	ssyncset.done $0x0  }
0x78: {  	s7 =	sadd.s32 $0xFFFFFFFF, s7;
	[sflag:s1] =	ssyncadd.s32 $0xFFFF0000  }
0x79: {  	_ =	sfence.sel $0x180000  }
0x7a: {  	[bflag:$0x0] =	sbarrier.arrive $0xFFFF  }
0x7b: {  	_ =	strace $0x90000047  }
0x7c: {  	s0 =	stileid.u32;
	[bflag:$0x2] =	sbarrier.arrive $0xFFFF  }
0x7d: {  	p0 =	sne.s32 s0, $0x0;
	s0 =	rddreg [dreg:$0x2]  }
0x7e: {  	s0 =	sadd.s32 @!p0 $0x100000, s0  }
0x7f: {  	[sflag:s0] =	ssyncadd.tile.s32 @!p0 $0x1;
	_ =	shalt  }
.Lfunc_end2:
_tile_overlayer_lowered:
.L_overlay_start_2:
0x80: {  	(tag) =	ssettag $0x2  }
0x81: {  	s0 =	rddreg [dreg:$0x0];
	s2 =	stileid.u32  }
0x82: {  	s1 =	rddreg [dreg:$0x1];
	p0 =	sne.s32 s2, $0x0  }
0x83: {  	s3 =	rddreg [dreg:$0x2];
	[bflag:$0x3] =	sbarrier.arrive $0xFFFF;
	s2 =	simm.s32 @!p0 $0x1C02  }
0x84: {  	[timem:s3], [sflag:s2] =	dma.local @!p0 [hbm:s0], s1  }
0x85: {  	s0 =	simm.s32 @!p0 $0x2  }
0x86: {  	_ =	swait.ge @!p0 [sflag:s0], s1  }
0x87: {  	s1 =	ssub.s32 @!p0 $0x0, s1;
	[sflag:s0] =	ssyncset.done @!p0 $0x0  }
0x88: {  	[sflag:s0] =	ssyncadd.s32 @!p0 s1  }
0x89: {  	[bflag:$0x3] =	sbarrier.arrive $0xFFFF  }
0x8a: {  	_ =	shalt  }

// kernel: kernel.9.cloned.1.call-start
scs
__scs_entry_jumppad:
0x0: {  	(pc) =	sbr.rel $0x88, $3  }
0x1: {  	(tag) =	ssettag $0x0;
	lr =	simm.s32 $0x1  }
0x2: {  	[smem:$0x3F9C] =	sst lr;
	_ =	strace $0xD0000000  }
0x3: {  	_ = 	snop  }
0x4: {  	_ = 	snop  }
0x5: {  	_ = 	snop  }
0x6: {  	_ = 	snop  }
0x7: {  	_ = 	snop  }
__scs_overlays_trampoline_lowered:
0x8: {  	[smem:$0x3FAB] =	sst s0  }
0x9: {  	[smem:$0x3FAC] =	sst s1  }
0xa: {  	[smem:$0x3FAD] =	sst s2  }
0xb: {  	[smem:$0x3FAE] =	sst s3  }
0xc: {  	[smem:$0x3FAF] =	sst s4  }
0xd: {  	[smem:$0x3FB0] =	sst s5  }
0xe: {  	[smem:$0x3FB1] =	sst s6  }
0xf: {  	[smem:$0x3FB2] =	sst s7  }
0x10: {  	[smem:$0x3FB3] =	sst s8  }
0x11: {  	[smem:$0x3FB4] =	sst s9;
	s0 =	simm.s32 @!p0 $0x0  }
0x12: {  	s1 =	sld [smem:$0x3F9A];
	s0 =	simm.s32 @p0 $0x1  }
0x13: {  	[smem:$0x3FB5] =	sst s0;
	s0 =	simm.s32 @!p1 $0x0  }
0x14: {  	s2 =	sld [smem:$0x3F99];
	s0 =	simm.s32 @p1 $0x1  }
0x15: {  	[smem:$0x3FB6] =	sst s0;
	s0 =	simm.s32 @!p2 $0x0  }
0x16: {  	s3 =	sld [smem:$0x3FDB];
	s0 =	simm.s32 @p2 $0x1  }
0x17: {  	s4 =	simm.s32 $0x1BF5;
	[smem:$0x3FB8] =	sst s0  }
0x18: {  	s0 =	sld [smem:$0x3F9B];
	_ =	swait.ge [sflag:s4], $0x0  }
0x19: {  	s7 =	sld [smem:$0x3F9C]  }
0x1a: {  	s8 =	sadd.s32 $0xFFFFE003, lr  }
0x1b: {  	s9 =	sadd.s32 $0xFFFFFEF7, lr;
	s5 =	simm.s32 $0xFFFFFFFF;
	p2 =	slt.u32 s8, $0xFFFFF086  }
0x1c: {  	p1 =	slt.u32 s9, $0xF7A;
	s5 =	simm.s32 @!p2 $0x0  }
0x1d: {  	s5 =	simm.s32 @p1 $0x1;
	p0 =	seq.s32 s7, s2  }
0x1e: {  	s7 =	smul.u32 @!p0 $0xF7A, s2;
	p2 =	seq.s32 @!p0 s5, $0x0  }
0x1f: {  	s9 =	smul.u32 $0xF7A, s1;
	s8 =	simm.s32 @!p0 $0x1BF5;
	p2 =	por !p2, p0  }
0x20: {  	[sflag:s8] =	ssyncset.s32 @!p0 $0xFFFFF086;
	s6 =	sadd.s32 @!p0 s3, s7;
	s7 =	simm.s32 @!p0 $0x108  }
0x21: {  	s3 =	sadd.s32 s3, s9;
	s6 =	sadd.s32 @!p0 $0x88, s6;
	s7 =	simm.s32 @p2 $0x1082  }
0x22: {  	[simem:s7], [sflag:s8] =	dma.local @!p0 [hbm:s6], $0xF7A  }
0x23: {  	s9 =	sor.u32 $0xD0000000, s2;
	s6 =	simm.s32 $0x108;
	_ =	swait.ge @!p0 [sflag:s8], $0x0  }
0x24: {  	s3 =	sadd.s32 $0x88, s3;
	s6 =	simm.s32 @!p1 $0x1082;
	[sflag:s4] =	ssyncset.s32 $0xFFFFF086  }
0x25: {  	[simem:s6], [sflag:s4] =	dma.local [hbm:s3], $0xF7A  }
0x26: {  	[smem:$0x3F9C] =	sst s1;
	(tag) =	ssettag s2;
	_ =	strace s9  }
0x27: {  	s1 =	sld [smem:$0x3FAC]  }
0x28: {  	s2 =	sld [smem:$0x3FAD]  }
0x29: {  	s4 =	sld [smem:$0x3FAF]  }
0x2a: {  	p0 =	seq.s32 s5, $0x0;
	s5 =	sld [smem:$0x3FB0]  }
0x2b: {  	s6 =	sld [smem:$0x3FB1]  }
0x2c: {  	s7 =	sld [smem:$0x3FB2]  }
0x2d: {  	s3 =	simm.s32 $0x108;
	s8 =	sld [smem:$0x3FB3]  }
0x2e: {  	s3 =	simm.s32 @!p0 $0x1082;
	s9 =	sld [smem:$0x3FB4]  }
0x2f: {  	lr =	sadd.s32 s0, s3;
	s0 =	sld [smem:$0x3FAB]  }
0x30: {  	s3 =	sld [smem:$0x3FAE]  }
0x31: {  	[smem:$0x3FB7] =	sst s10  }
0x32: {  	s10 =	sld [smem:$0x3FB5];
	_ =	sdelay $0x3  }
0x33: {  	p0 =	seq.s32 s10, $0x1;
	s10 =	sld [smem:$0x3FB7];
	_ =	sdelay $0x3  }
0x34: {  	[smem:$0x3FB7] =	sst s10  }
0x35: {  	s10 =	sld [smem:$0x3FB6];
	_ =	sdelay $0x3  }
0x36: {  	p1 =	seq.s32 s10, $0x1;
	s10 =	sld [smem:$0x3FB7];
	_ =	sdelay $0x3  }
0x37: {  	[smem:$0x3FB7] =	sst s10  }
0x38: {  	s10 =	sld [smem:$0x3FB8]  }
0x39: {  	_ = 	snop;
	(pc) =	sbr.ind lr, $3  }
0x3a: {  	_ = 	snop  }
0x3b: {  	_ = 	snop  }
0x3c: {  	p2 =	seq.s32 s10, $0x1;
	s10 =	sld [smem:$0x3FB7]  }
0x3d: {  	_ =	shalt  }
0x3e: {  	_ =	shalt  }
0x3f: {  	_ =	shalt  }
0x40: {  	_ =	shalt  }
0x41: {  	_ =	shalt  }
0x42: {  	_ =	shalt  }
0x43: {  	_ =	shalt  }
0x44: {  	_ =	shalt  }
0x45: {  	_ =	shalt  }
0x46: {  	_ =	shalt  }
0x47: {  	_ =	shalt  }
0x48: {  	_ =	shalt  }
0x49: {  	_ =	shalt  }
0x4a: {  	_ =	shalt  }
0x4b: {  	_ =	shalt  }
0x4c: {  	_ =	shalt  }
0x4d: {  	_ =	shalt  }
0x4e: {  	_ =	shalt  }
0x4f: {  	_ =	shalt  }
0x50: {  	_ =	shalt  }
0x51: {  	_ =	shalt  }
0x52: {  	_ =	shalt  }
0x53: {  	_ =	shalt  }
0x54: {  	_ =	shalt  }
0x55: {  	_ =	shalt  }
0x56: {  	_ =	shalt  }
0x57: {  	_ =	shalt  }
0x58: {  	_ =	shalt  }
0x59: {  	_ =	shalt  }
0x5a: {  	_ =	shalt  }
0x5b: {  	_ =	shalt  }
0x5c: {  	_ =	shalt  }
0x5d: {  	_ =	shalt  }
0x5e: {  	_ =	shalt  }
0x5f: {  	_ =	shalt  }
0x60: {  	_ =	shalt  }
0x61: {  	_ =	shalt  }
0x62: {  	_ =	shalt  }
0x63: {  	_ =	shalt  }
0x64: {  	_ =	shalt  }
0x65: {  	_ =	shalt  }
0x66: {  	_ =	shalt  }
0x67: {  	_ =	shalt  }
0x68: {  	_ =	shalt  }
0x69: {  	_ =	shalt  }
0x6a: {  	_ =	shalt  }
0x6b: {  	_ =	shalt  }
0x6c: {  	_ =	shalt  }
0x6d: {  	_ =	shalt  }
0x6e: {  	_ =	shalt  }
0x6f: {  	_ =	shalt  }
0x70: {  	_ =	shalt  }
0x71: {  	_ =	shalt  }
0x72: {  	_ =	shalt  }
0x73: {  	_ =	shalt  }
0x74: {  	_ =	shalt  }
0x75: {  	_ =	shalt  }
0x76: {  	_ =	shalt  }
0x77: {  	_ =	shalt  }
0x78: {  	_ =	shalt  }
0x79: {  	_ =	shalt  }
0x7a: {  	_ =	shalt  }
0x7b: {  	_ =	shalt  }
0x7c: {  	_ =	shalt  }
0x7d: {  	_ =	shalt  }
0x7e: {  	_ =	shalt  }
0x7f: {  	_ =	shalt  }
0x80: {  	_ =	shalt  }
0x81: {  	_ =	shalt  }
0x82: {  	_ =	shalt  }
0x83: {  	_ =	shalt  }
0x84: {  	_ =	shalt  }
0x85: {  	_ =	shalt  }
0x86: {  	_ =	shalt  }
0x87: {  	_ =	shalt  }
.Lfunc_end0:
.L_simem_size_0:
called_computation.1_lowered:
.L_overlay_start_0:
0x88: {  	s2 =	sld [smem:$0x3FD9]  }
0x89: {  	s3 =	sld [smem:$0x3FFE];
	_ =	sdelay $0x1  }
0x8a: {  	s1 =	srdreg.scid  }
0x8b: {  	s0 =	sand.u32 $0x1, s1  }
0x8c: {  	s14 =	sshll.u32 s0, $0xA;
	s2 =	sadd.s32 s3, s2  }
0x8d: {  	s2 =	sadd.s32 s2, s14  }
0x8e: {  	[smem:$0x3FC3] =	sst s2  }
0x8f: {  	_ = 	snop  }
0x90: {  	s2 =	sld [smem:$0x3FD0];
	_ =	sdelay $0x2  }
0x91: {  	s15 =	simm.s32 $0xA;
	s4 =	simm.s32 $0x10  }
0x92: {  	[smem:s4], [sflag:s15] =	dma.local [hbm:s2], $0x1  }
0x93: {  	_ =	swait.eq [sflag:s15], $0x1  }
0x94: {  	[sflag:s15] =	ssyncset.done $0x0  }
0x95: {  	[sflag:s15] =	ssyncadd.s32 $0xFFFFFFFF  }
0x96: {  	s16 =	sld [smem:$0x10];
	(tm) =	ssettm $0x1  }
0x97: {  	s17 =	sld [smem:$0x3FFB];
	_ =	sdelay $0x3  }
0x98: {  	_ =	strace s17  }
0x99: {  	s3 =	sld [smem:$0x3FFC];
	_ =	sdelay $0x3  }
0x9a: {  	_ =	strace s3  }
0x9b: {  	s3 =	sld [smem:$0x3FFD];
	_ =	sdelay $0x3  }
0x9c: {  	_ =	strace s3  }
0x9d: {  	_ =	strace $0x8FFFFFFF  }
0x9e: {  	s18 =	sld [smem:$0x3FDB];
	_ =	sdelay $0x1  }
0x9f: {  	s19 =	simm.s32 $_scs_section_size  }
0xa0: {  	s5 =	simm.s32 $_size__tile_overlayer_lowered;
	s6 =	simm.s32 $_tile_overlayer_lowered  }
0xa1: {  	s22 =	simm.s32 $0x1BFF;
	s21 =	sshll.u32 s6, $0x1;
	s3 =	sadd.s32 s19, s18  }
0xa2: {  	s7 =	simm.s32 $0x0;
	s20 =	sshll.u32 s5, $0x1;
	s5 =	sadd.s32 s21, s3  }
0xa3: {  	[timem:s7], [sflag:s22] =	dma.local [hbm:s5], s20  }
0xa4: {  	_ =	swait.ge [sflag:s22], s20  }
0xa5: {  	s4 =	ssub.s32 $0x0, s20;
	[sflag:s22] =	ssyncset.done $0x0  }
0xa6: {  	[sflag:s22] =	ssyncadd.s32 s4;
	_ =	sdelay $0x1  }
0xa7: {  	s23 =	simm.s32 $0x1B8B  }
0xa8: {  	_ =	swait.ge [sflag:s23], $0x1  }
0xa9: {  	[sflag:s23] =	ssyncset.done $0x0  }
0xaa: {  	s25 =	simm.s32 $0x1B8E;
	s24 =	sld [smem:$0x3FFE];
	[sflag:s23] =	ssyncadd.s32 $0xFFFFFFFF  }
0xab: {  	s26 =	simm.s32 $execute0_lowered;
	[smem:$0x3FD2] =	sst s25  }
0xac: {  	s5 =	sshll.u32 s26, $0x1;
	_ =	strace $0x80000049;
	[dreg:$0x1] =	wrdreg $0xFFFFFFFF  }
0xad: {  	s28 =	simm.s32 $_size_execute0_lowered;
	s3 =	sadd.s32 s3, s5;
	[dreg:$0x0] =	wrdreg $0x0  }
0xae: {  	s5 =	sshll.u32 s28, $0x1;
	[dreg:$0x2] =	wrdreg s3  }
0xaf: {  	[dreg:$0x3] =	wrdreg s5  }
0xb0: {  	[dreg:$0x4] =	wrdreg $0xC0  }
0xb1: {  	_ =	task [dreg:s7], $0x5FFFF  }
0xb2: {  	[dreg:$0x1] =	wrdreg $0xFFFFFFFF  }
0xb3: {  	[dreg:$0x0] =	wrdreg $0x60  }
0xb4: {  	[dreg:$0x2] =	wrdreg s24  }
0xb5: {  	[dreg:$0x3] =	wrdreg s16  }
0xb6: {  	[dreg:$0x4] =	wrdreg $0x9  }
0xb7: {  	_ =	task.clear_ibuf [dreg:s7], $0x5FFFF;
	_ =	strace $0x90000049  }
0xb8: {  	s29 =	simm.s32 $0x9;
	_ =	strace $0x8000004B  }
0xb9: {  	_ =	swait.ge [sflag:s29], $0x1  }
0xba: {  	[sflag:s29] =	ssyncadd.s32 $0xFFFFFFFF  }
0xbb: {  	_ =	strace $0x9000004B  }
0xbc: {  	_ =	sfence  }
0xbd: {  	s30 =	sld [smem:$0x0];
	_ =	sdelay $0x2  }
0xbe: {  	s31 =	sshll.u32 s1, $0xD;
	s1 =	sshrl.u32 s1, $0x2  }
0xbf: {  	s3 =	sand.u32 $0x4000, s31;
	s1 =	sadd.s32 s1, s30  }
0xc0: {  	s0 =	sor.u32 s3, s0;
	s1 =	sshll.u32 s1, $0x11  }
0xc1: {  	s0 =	sor.u32 s1, s0  }
0xc2: {  	s0 =	sadd.s32 $0x8F2B, s0  }
0xc3: {  	[sflag:s0] =	ssyncadd.remote.s32 $0x1  }
0xc4: {  	_ =	sfence.sel $0xFFFF  }
0xc5: {  	[dreg:$0x0] =	wrdreg $0xFFFFFFFF;
	(pc) =	sbr.abs _section_cstart, $3  }
0xc6: {  	[dreg:$0x1] =	wrdreg $0xFFFFFFFF  }
0xc7: {  	_ =	task.clear_ibuf [dreg:s7], $0x2FFFF;
	_ =	strace $0x9FFFFFFF  }
0xc8: {  	(tm) =	ssettm $0x7FFFFFFF  }
0xc9: {  	_ =	shalt  }
tec
execute0_lowered:
.L_overlay_start_1:
0x0: {  	(tag) =	ssettag $0x1  }
0x1: {  	s1 =	srdreg.scid;
	s6 =	rddreg [dreg:$0x0]  }
0x2: {  	s0 =	stileid.u32;
	s3 =	rddreg [dreg:$0x1];
	s18 =	simm.s32 $0x880  }
0x3: {  	s19 =	simm.s32 $0x1080;
	s20 =	simm.s32 $0x1880;
	s22 =	simm.s32 $0x2080  }
0x4: {  	s23 =	simm.s32 $0x2880;
	s7 =	simm.s32 $0x3080;
	s24 =	simm.s32 $0x3880  }
0x5: {  	s8 =	simm.s32 $0x4080;
	s25 =	simm.s32 $0x4880;
	s26 =	simm.s32 $0x5080  }
0x6: {  	s9 =	simm.s32 $0x80;
	s1 =	sand.u32 $0x1, s1;
	s2 =	sshll.u32 s0, $0x1  }
0x7: {  	s11 =	simm.s32 $0x6080;
	s4 =	sor.u32 s1, s2;
	s2 =	simm.s32 $0x0  }
0x8: {  	s12 =	simm.s32 $0x6880;
	s13 =	simm.s32 $0x7080;
	[smem:$0x7FF] =	sst s2  }
0x9: {  	s14 =	simm.s32 $0x7880;
	_ =	strace $0x8000004A;
	[dreg:$0x5] =	wrdreg s18  }
0xa: {  	s15 =	simm.s32 $0x8080;
	s16 =	simm.s32 $0x8880;
	[dreg:$0x6] =	wrdreg s19  }
0xb: {  	s17 =	simm.s32 $0x9080;
	s28 =	simm.s32 $0xE080;
	[dreg:$0x7] =	wrdreg s20  }
0xc: {  	s29 =	simm.s32 $0xE880;
	s30 =	simm.s32 $0xF080;
	[dreg:$0x8] =	wrdreg s22  }
0xd: {  	s31 =	simm.s32 $0xF880;
	s1 =	ssub.s32 $0x2, s1;
	[dreg:$0x9] =	wrdreg s23  }
0xe: {  	s5 =	sshll.u32 s4, $0x4;
	s4 =	sshll.u32 s4, $0xD;
	[dreg:$0xa] =	wrdreg s7  }
0xf: {  	s21 =	sshrl.u32 s1, $0x1;
	s5 =	sadd.s32 s5, s6;
	[dreg:$0xb] =	wrdreg s24  }
0x10: {  	s3 =	sadd.s32 s3, s4;
	s1 =	ssub.s32 s1, s21;
	[dreg:$0xc] =	wrdreg s8  }
0x11: {  	s4 =	sadd.s32 $0xC9100, s6;
	s8 =	simm.s32 $0x2;
	[dreg:$0xd] =	wrdreg s25  }
0x12: {  	[dreg:$0xe] =	wrdreg s26;
	s18 =	simm.s32 $0x9880;
	s19 =	simm.s32 $0xA080  }
0x13: {  	s20 =	simm.s32 $0xA880;
	s21 =	simm.s32 $0xB080;
	s22 =	simm.s32 $0xB880  }
0x14: {  	s23 =	simm.s32 $0xC080;
	s24 =	simm.s32 $0xC880;
	s25 =	simm.s32 $0xD080  }
0x15: {  	v2 =	vlaneseq.u32;
	s26 =	simm.s32 $0xD880;
	s5 =	sadd.s32 $0x8E00, s5;
	[dreg:$0x4] =	wrdreg s3  }
0x16: {  	vm0 =	vmmov $0xffff;
	v1 =	vshrl.u32 v2, $0x3;
	s3 =	sadd.s32 $0xC9000, s6;
	s7 =	smax.u32 s1, $0x1;
	s1 =	simm.s32 $0x1  }
0x17: {  	v0 =	vand.u32 $0x7, v2;
	v2 =	vor.u32 $0x8, v2;
	v1 =	vmul.u32 $0x8, v1;
	[dreg:$0x3] =	wrdreg s5;
	s5 =	sadd.s32 $0xC9200, s6;
	s6 =	sadd.s32 $0xC9300, s6  }
.LBB2_1:
0x18: {  	s0 =	rddreg [dreg:$0x3]  }
0x19: {  	[tilespmem:s2], [sflag:$0x2] =	stream.linear.gather [hbm4b:s0+s2], $0x80, $0x38;
	[tilespmem:$0x10080] =	vst v63  }
0x1a: {  	_ =	swait.ge [sflag:s8], $0x80  }
0x1b: {  	[sflag:s8] =	ssyncset.done $0x0  }
0x1c: {  	[sflag:s8] =	ssyncadd.s32 $0xFFFFFF80  }
0x1d: {  	v3 =	vld [tilespmem:$0x0];
	_ =	sdelay $0x4  }
0x1e: {  	v4 =	vshll.u32 v3, $0x3  }
0x1f: {  	v3 =	vand.u32 $0x7, v3;
	v4 =	vand.u32 $0xFFFFFFC0, v4  }
0x20: {  	v3 =	vor.u32 v3, v4  }
0x21: {  	v4 =	vperm.xlane v3, v0;
	_ =	sdelay $0x1  }
0x22: {  	v4 =	vadd.s32 v1, v4;
	_ =	sdelay $0x4  }
0x23: {  	[tilespmem:s9], [sflag:$0x1] =	stream.indirect_vreg.gather [hbm4b:s3+s2], $0x80, v4, vm0, $0xb8;
	[tilespmem:$0x10080] =	vst v63  }
0x24: {  	s0 =	rddreg [dreg:$0x5];
	v3 =	vperm.xlane v3, v2  }
0x25: {  	[tilespmem:s0], [sflag:$0x1] =	stream.indirect_vreg.gather [hbm4b:s4+s2], $0x80, v4, vm0, $0xb8;
	[tilespmem:$0x10080] =	vst v63  }
0x26: {  	s10 =	rddreg [dreg:$0x6];
	v3 =	vadd.s32 v1, v3  }
0x27: {  	[tilespmem:s10], [sflag:$0x1] =	stream.indirect_vreg.gather [hbm4b:s5+s2], $0x80, v4, vm0, $0xb8;
	[tilespmem:$0x10080] =	vst v63  }
0x28: {  	s0 =	rddreg [dreg:$0x7]  }
0x29: {  	[tilespmem:s0], [sflag:$0x1] =	stream.indirect_vreg.gather [hbm4b:s6+s2], $0x80, v4, vm0, $0xb8;
	[tilespmem:$0x10080] =	vst v63  }
0x2a: {  	s10 =	rddreg [dreg:$0x8]  }
0x2b: {  	[tilespmem:s10], [sflag:$0x1] =	stream.indirect_vreg.gather [hbm4b:s3+s2], $0x80, v3, vm0, $0xb8;
	[tilespmem:$0x10080] =	vst v63  }
0x2c: {  	s0 =	rddreg [dreg:$0x9]  }
0x2d: {  	[tilespmem:s0], [sflag:$0x1] =	stream.indirect_vreg.gather [hbm4b:s4+s2], $0x80, v3, vm0, $0xb8;
	[tilespmem:$0x10080] =	vst v63  }
0x2e: {  	s10 =	rddreg [dreg:$0xa]  }
0x2f: {  	[tilespmem:s10], [sflag:$0x1] =	stream.indirect_vreg.gather [hbm4b:s5+s2], $0x80, v3, vm0, $0xb8;
	[tilespmem:$0x10080] =	vst v63  }
0x30: {  	s0 =	rddreg [dreg:$0xb]  }
0x31: {  	[tilespmem:s0], [sflag:$0x1] =	stream.indirect_vreg.gather [hbm4b:s6+s2], $0x80, v3, vm0, $0xb8;
	[tilespmem:$0x10080] =	vst v63  }
0x32: {  	v3 =	vld [tilespmem:$0x10];
	_ =	sdelay $0x4  }
0x33: {  	v61 =	vshll.u32 v3, $0x3  }
0x34: {  	v3 =	vand.u32 $0x7, v3;
	v4 =	vand.u32 $0xFFFFFFC0, v61  }
0x35: {  	v3 =	vor.u32 v3, v4  }
0x36: {  	v4 =	vperm.xlane v3, v0;
	_ =	sdelay $0x1  }
0x37: {  	v4 =	vadd.s32 v1, v4;
	_ =	sdelay $0x3  }
0x38: {  	s0 =	rddreg [dreg:$0xc]  }
0x39: {  	[tilespmem:s0], [sflag:$0x1] =	stream.indirect_vreg.gather [hbm4b:s3+s2], $0x80, v4, vm0, $0xb8;
	[tilespmem:$0x10080] =	vst v63  }
0x3a: {  	s10 =	rddreg [dreg:$0xd];
	v3 =	vperm.xlane v3, v2  }
0x3b: {  	[tilespmem:s10], [sflag:$0x1] =	stream.indirect_vreg.gather [hbm4b:s4+s2], $0x80, v4, vm0, $0xb8;
	[tilespmem:$0x10080] =	vst v63  }
0x3c: {  	v3 =	vadd.s32 v1, v3;
	s0 =	rddreg [dreg:$0xe]  }
0x3d: {  	[tilespmem:s0], [sflag:$0x1] =	stream.indirect_vreg.gather [hbm4b:s5+s2], $0x80, v4, vm0, $0xb8;
	[tilespmem:$0x10080] =	vst v63  }
0x3e: {  	s10 =	simm.s32 $0x5880  }
0x3f: {  	[tilespmem:s10], [sflag:$0x1] =	stream.indirect_vreg.gather [hbm4b:s6+s2], $0x80, v4, vm0, $0xb8;
	[tilespmem:$0x10080] =	vst v63  }
0x40: {  	_ = 	snop  }
0x41: {  	[tilespmem:s11], [sflag:$0x1] =	stream.indirect_vreg.gather [hbm4b:s3+s2], $0x80, v3, vm0, $0xb8;
	[tilespmem:$0x10080] =	vst v63  }
0x42: {  	_ = 	snop  }
0x43: {  	[tilespmem:s12], [sflag:$0x1] =	stream.indirect_vreg.gather [hbm4b:s4+s2], $0x80, v3, vm0, $0xb8;
	[tilespmem:$0x10080] =	vst v63  }
0x44: {  	_ = 	snop  }
0x45: {  	[tilespmem:s13], [sflag:$0x1] =	stream.indirect_vreg.gather [hbm4b:s5+s2], $0x80, v3, vm0, $0xb8;
	[tilespmem:$0x10080] =	vst v63  }
0x46: {  	_ = 	snop  }
0x47: {  	[tilespmem:s14], [sflag:$0x1] =	stream.indirect_vreg.gather [hbm4b:s6+s2], $0x80, v3, vm0, $0xb8;
	[tilespmem:$0x10080] =	vst v63  }
0x48: {  	v3 =	vld [tilespmem:$0x20];
	_ =	sdelay $0x4  }
0x49: {  	v62 =	vshll.u32 v3, $0x3  }
0x4a: {  	v3 =	vand.u32 $0x7, v3;
	v4 =	vand.u32 $0xFFFFFFC0, v62  }
0x4b: {  	v3 =	vor.u32 v3, v4  }
0x4c: {  	v4 =	vperm.xlane v3, v0;
	_ =	sdelay $0x1  }
0x4d: {  	v4 =	vadd.s32 v1, v4;
	_ =	sdelay $0x4  }
0x4e: {  	[tilespmem:s15], [sflag:$0x1] =	stream.indirect_vreg.gather [hbm4b:s3+s2], $0x80, v4, vm0, $0xb8;
	[tilespmem:$0x10080] =	vst v63  }
0x4f: {  	v3 =	vperm.xlane v3, v2  }
0x50: {  	[tilespmem:s16], [sflag:$0x1] =	stream.indirect_vreg.gather [hbm4b:s4+s2], $0x80, v4, vm0, $0xb8;
	[tilespmem:$0x10080] =	vst v63  }
0x51: {  	v3 =	vadd.s32 v1, v3  }
0x52: {  	[tilespmem:s17], [sflag:$0x1] =	stream.indirect_vreg.gather [hbm4b:s5+s2], $0x80, v4, vm0, $0xb8;
	[tilespmem:$0x10080] =	vst v63  }
0x53: {  	_ = 	snop  }
0x54: {  	[tilespmem:s18], [sflag:$0x1] =	stream.indirect_vreg.gather [hbm4b:s6+s2], $0x80, v4, vm0, $0xb8;
	[tilespmem:$0x10080] =	vst v63  }
0x55: {  	_ = 	snop  }
0x56: {  	[tilespmem:s19], [sflag:$0x1] =	stream.indirect_vreg.gather [hbm4b:s3+s2], $0x80, v3, vm0, $0xb8;
	[tilespmem:$0x10080] =	vst v63  }
0x57: {  	_ = 	snop  }
0x58: {  	[tilespmem:s20], [sflag:$0x1] =	stream.indirect_vreg.gather [hbm4b:s4+s2], $0x80, v3, vm0, $0xb8;
	[tilespmem:$0x10080] =	vst v63  }
0x59: {  	_ = 	snop  }
0x5a: {  	[tilespmem:s21], [sflag:$0x1] =	stream.indirect_vreg.gather [hbm4b:s5+s2], $0x80, v3, vm0, $0xb8;
	[tilespmem:$0x10080] =	vst v63  }
0x5b: {  	_ = 	snop  }
0x5c: {  	[tilespmem:s22], [sflag:$0x1] =	stream.indirect_vreg.gather [hbm4b:s6+s2], $0x80, v3, vm0, $0xb8;
	[tilespmem:$0x10080] =	vst v63  }
0x5d: {  	v3 =	vld [tilespmem:$0x30];
	_ =	sdelay $0x4  }
0x5e: {  	v63 =	vshll.u32 v3, $0x3  }
0x5f: {  	v3 =	vand.u32 $0x7, v3;
	v4 =	vand.u32 $0xFFFFFFC0, v63  }
0x60: {  	v3 =	vor.u32 v3, v4  }
0x61: {  	v4 =	vperm.xlane v3, v0;
	_ =	sdelay $0x1  }
0x62: {  	v4 =	vadd.s32 v1, v4;
	_ =	sdelay $0x4  }
0x63: {  	[tilespmem:s23], [sflag:$0x1] =	stream.indirect_vreg.gather [hbm4b:s3+s2], $0x80, v4, vm0, $0xb8;
	[tilespmem:$0x10080] =	vst v63  }
0x64: {  	v3 =	vperm.xlane v3, v2  }
0x65: {  	[tilespmem:s24], [sflag:$0x1] =	stream.indirect_vreg.gather [hbm4b:s4+s2], $0x80, v4, vm0, $0xb8;
	[tilespmem:$0x10080] =	vst v63  }
0x66: {  	v3 =	vadd.s32 v1, v3  }
0x67: {  	[tilespmem:s25], [sflag:$0x1] =	stream.indirect_vreg.gather [hbm4b:s5+s2], $0x80, v4, vm0, $0xb8;
	[tilespmem:$0x10080] =	vst v63  }
0x68: {  	_ = 	snop  }
0x69: {  	[tilespmem:s26], [sflag:$0x1] =	stream.indirect_vreg.gather [hbm4b:s6+s2], $0x80, v4, vm0, $0xb8;
	[tilespmem:$0x10080] =	vst v63  }
0x6a: {  	_ = 	snop  }
0x6b: {  	[tilespmem:s28], [sflag:$0x1] =	stream.indirect_vreg.gather [hbm4b:s3+s2], $0x80, v3, vm0, $0xb8;
	[tilespmem:$0x10080] =	vst v63  }
0x6c: {  	_ = 	snop  }
0x6d: {  	[tilespmem:s29], [sflag:$0x1] =	stream.indirect_vreg.gather [hbm4b:s4+s2], $0x80, v3, vm0, $0xb8;
	[tilespmem:$0x10080] =	vst v63  }
0x6e: {  	_ = 	snop  }
0x6f: {  	[tilespmem:s30], [sflag:$0x1] =	stream.indirect_vreg.gather [hbm4b:s5+s2], $0x80, v3, vm0, $0xb8;
	[tilespmem:$0x10080] =	vst v63  }
0x70: {  	_ = 	snop  }
0x71: {  	[tilespmem:s31], [sflag:$0x1] =	stream.indirect_vreg.gather [hbm4b:s6+s2], $0x80, v3, vm0, $0xb8;
	[tilespmem:$0x10080] =	vst v63  }
0x72: {  	_ =	swait.ge [sflag:s1], $0x10000  }
0x73: {  	p0 =	sne.s32 s7, $0x1;
	[sflag:s1] =	ssyncset.done $0x0  }
.Ltmp0:
0x74: {  	s10 =	rddreg [dreg:$0x4];
	[sflag:s1] =	ssyncadd.s32 $0xFFFF0000;
	(pc) =	sbr.rel @p0 .LBB2_1-.Ltmp0, $4  }
0x75: {  	[hbm4b:s10+s2] =	stream.linear.scatter [tilespmem:s9], [sflag:$0x2], $0x10000, $0x38;
	[tilespmem:$0x10080] =	vst v63  }
0x76: {  	_ =	swait.ge [sflag:s8], $0x10000  }
0x77: {  	[sflag:s8] =	ssyncset.done $0x0  }
0x78: {  	s7 =	sadd.s32 $0xFFFFFFFF, s7;
	[sflag:s8] =	ssyncadd.s32 $0xFFFF0000  }
0x79: {  	_ =	sfence.sel $0x180000  }
0x7a: {  	[bflag:$0x0] =	sbarrier.arrive $0xFFFF  }
0x7b: {  	_ =	strace $0x9000004A  }
0x7c: {  	s0 =	stileid.u32;
	[bflag:$0x2] =	sbarrier.arrive $0xFFFF  }
0x7d: {  	p0 =	sne.s32 s0, $0x0;
	s0 =	rddreg [dreg:$0x2]  }
0x7e: {  	s0 =	sadd.s32 @!p0 $0x100000, s0  }
0x7f: {  	[sflag:s0] =	ssyncadd.tile.s32 @!p0 $0x1;
	_ =	shalt  }
.Lfunc_end2:
_tile_overlayer_lowered:
.L_overlay_start_2:
0x80: {  	(tag) =	ssettag $0x2  }
0x81: {  	s0 =	rddreg [dreg:$0x0];
	s2 =	stileid.u32  }
0x82: {  	s1 =	rddreg [dreg:$0x1];
	p0 =	sne.s32 s2, $0x0  }
0x83: {  	s3 =	rddreg [dreg:$0x2];
	[bflag:$0x3] =	sbarrier.arrive $0xFFFF;
	s2 =	simm.s32 @!p0 $0x1C02  }
0x84: {  	[timem:s3], [sflag:s2] =	dma.local @!p0 [hbm:s0], s1  }
0x85: {  	s0 =	simm.s32 @!p0 $0x2  }
0x86: {  	_ =	swait.ge @!p0 [sflag:s0], s1  }
0x87: {  	s1 =	ssub.s32 @!p0 $0x0, s1;
	[sflag:s0] =	ssyncset.done @!p0 $0x0  }
0x88: {  	[sflag:s0] =	ssyncadd.s32 @!p0 s1  }
0x89: {  	[bflag:$0x3] =	sbarrier.arrive $0xFFFF  }
0x8a: {  	_ =	shalt  }

</sc_bundles>
